<compile_context>
chip_gen: v7x
topology: tpu7x:2x2x1
jax: 0.10.2.dev20260603
libtpu: 0.0.44.dev20260713+nightly
codegen_flags: <defaults>
</compile_context>

<pallas_src>
import functools

import jax
import jax.numpy as jnp
from jax import lax
from jax.experimental import pallas as pl
from jax.experimental.pallas import tpu as pltpu
from jax.experimental.pallas import tpu_sc as plsc

_VOCAB = 100000
_DIM = 300
_DP = 384
_B = 1024
_L = 20
_MAX_NORM = 1.0

_NC = 2
_NS = 16
_NW = _NC * _NS
_R = _B * _L
_R_PER_W = _R // _NW
_GC = 128
_CPW = _R_PER_W // _GC

_TB = 2048
_TGRID = (_VOCAB + _TB - 1) // _TB


def _tc_transpose(wt):

    def body(w_ref, out_ref):
        out_ref[:, :_DIM] = jnp.transpose(w_ref[...], (1, 0))
        out_ref[:, _DIM:] = jnp.zeros((_TB, _DP - _DIM), jnp.float32)

    return pl.pallas_call(
        body,
        grid=(_TGRID,),
        in_specs=[pl.BlockSpec((_DIM, _TB), lambda j: (0, j))],
        out_specs=pl.BlockSpec((_TB, _DP), lambda j: (j, 0)),
        out_shape=jax.ShapeDtypeStruct((_VOCAB, _DP), jnp.float32),
    )(wt)


def _sc_gather(idx3d, table384):
    mesh = plsc.VectorSubcoreMesh(core_axis_name="c", subcore_axis_name="s")

    @functools.partial(
        pl.kernel,
        out_type=jax.ShapeDtypeStruct((_R, _DP), jnp.float32),
        mesh=mesh,
        compiler_params=pltpu.CompilerParams(
            use_tc_tiling_on_sc=True, needs_layout_passes=False
        ),
        scratch_types=[
            pltpu.VMEM((8, _GC), jnp.int32),
            pltpu.VMEM((_GC, _DP), jnp.float32),
            pltpu.SemaphoreType.DMA,
        ],
    )
    def gather_kernel(idx_hbm, t_hbm, out_hbm, idx_v, buf, sem):
        wid = lax.axis_index("s") * _NC + lax.axis_index("c")
        base = wid * _R_PER_W
        pltpu.sync_copy(idx_hbm.at[pl.ds(wid * 8, 8)], idx_v)
        for c in range(_CPW):
            pltpu.async_copy(t_hbm.at[idx_v.at[c]], buf, sem).wait()
            pltpu.sync_copy(buf, out_hbm.at[pl.ds(base + c * _GC, _GC)])

    return gather_kernel(idx3d, table384)


_VB = 1024
_KA = 304
_NBLK = (_VOCAB + _VB - 1) // _VB
_GRID = _L + _NBLK


def _tc_pool_matmul(rows, wt, bias2):

    def body(rows_ref, w_ref, b_ref, out_ref, xbf_ref, xf_ref, wa_ref):
        j = pl.program_id(0)

        @pl.when(j < _L)
        def _():
            r = rows_ref[...]
            ss = jnp.sum(r * r, axis=1, keepdims=True)
            scale = jnp.where(
                ss > _MAX_NORM * _MAX_NORM,
                _MAX_NORM / (jnp.sqrt(ss) + 1e-7),
                1.0,
            )
            contrib = r * scale

            @pl.when(j == 0)
            def _():
                xf_ref[...] = contrib

            @pl.when(j > 0)
            def _():
                xf_ref[...] += contrib

            @pl.when(j == _L - 1)
            def _():
                xbf_ref[:, :_DIM] = (
                    (xf_ref[...] * (1.0 / _L))[:, :_DIM].astype(jnp.bfloat16)
                )
                xbf_ref[:, _DIM:] = jnp.concatenate(
                    [
                        jnp.ones((_B, 1), jnp.bfloat16),
                        jnp.zeros((_B, _KA - _DIM - 1), jnp.bfloat16),
                    ],
                    axis=1,
                )

        @pl.when(j >= _L)
        def _():
            wa_ref[:_DIM, :] = w_ref[...].astype(jnp.bfloat16)
            wa_ref[_DIM:_DIM + 1, :] = b_ref[...].astype(jnp.bfloat16)

            @pl.when(j == _L)
            def _():
                wa_ref[_DIM + 1:, :] = jnp.zeros((_KA - _DIM - 1, _VB), jnp.bfloat16)

            out_ref[...] = lax.dot_general(
                wa_ref[...], xbf_ref[...], (((0,), (1,)), ((), ())),
                preferred_element_type=jnp.float32,
            )

    return pl.pallas_call(
        body,
        grid=(_GRID,),
        in_specs=[
            pl.BlockSpec((_B, _DP), lambda j: (jnp.minimum(j, _L - 1), 0)),
            pl.BlockSpec((_DIM, _VB), lambda j: (0, jnp.maximum(j - _L, 0))),
            pl.BlockSpec((1, _VB), lambda j: (0, jnp.maximum(j - _L, 0))),
        ],
        out_specs=pl.BlockSpec((_VB, _B), lambda j: (jnp.maximum(j - _L, 0), 0)),
        out_shape=jax.ShapeDtypeStruct((_VOCAB, _B), jnp.float32),
        scratch_shapes=[
            pltpu.VMEM((_B, _KA), jnp.bfloat16),
            pltpu.VMEM((_B, _DP), jnp.float32),
            pltpu.VMEM((_KA, _VB), jnp.bfloat16),
        ],
    )(rows, wt, bias2)


def kernel(inputs_, embedding_weight, linear_weight, linear_bias):
    idx = jnp.transpose(inputs_).reshape(_NW, _CPW, _GC).astype(jnp.int32)
    idx3d = jnp.pad(idx, ((0, 0), (0, 8 - _CPW), (0, 0))).reshape(_NW * 8, _GC)
    table384 = _tc_transpose(embedding_weight.T)
    rows = _sc_gather(idx3d, table384)
    bias2 = linear_bias.reshape(1, _VOCAB)
    outt = _tc_pool_matmul(rows, linear_weight.T, bias2)
    return outt.T

# --- scband reference (transcript-rebuilt; emitter-appended) ---
"""Pipeline reference for scband-cbow-model-4990751998522 (READ-ONLY COPY).

The authoritative reference and input builder live on the scoring server;
editing this copy changes nothing except your own understanding.
"""

import jax, jax.numpy as jnp
import numpy as np

VOCAB = 100000
DIM = 300
B = 1024
L = 20
MAX_NORM = 1.0


def setup_inputs(seed: int = 0) -> dict:
    key = jax.random.key(seed)
    k1, k2, k3 = jax.random.split(key, 3)
    inputs_ = jax.random.randint(k1, (B, L), 0, VOCAB, dtype=jnp.int64 if jax.config.jax_enable_x64 else jnp.int32)
    embedding_weight = jax.random.normal(k2, (VOCAB, DIM), dtype=jnp.float32) * 0.02
    linear_weight = jax.random.normal(k3, (VOCAB, DIM), dtype=jnp.float32) * 0.02
    linear_bias = jnp.zeros((VOCAB,), dtype=jnp.float32)
    return {
        "inputs_": inputs_,
        "embedding_weight": embedding_weight,
        "linear_weight": linear_weight,
        "linear_bias": linear_bias,
    }


def _renorm_rows(rows, max_norm):
    # Faithful to torch nn.Embedding(max_norm=1): rows with L2 norm > max_norm
    # are rescaled to have norm == max_norm (torch adds 1e-7 to denominator).
    norms = jnp.linalg.norm(rows, ord=2, axis=-1, keepdims=True)
    scale = jnp.where(norms > max_norm, max_norm / (norms + 1e-7), 1.0)
    return rows * scale


def reference(inputs_, embedding_weight, linear_weight, linear_bias):
    # embedding lookup (gather) with max_norm renormalization
    rows = jnp.take(embedding_weight, inputs_, axis=0)  # [B, L, DIM]
    rows = _renorm_rows(rows, MAX_NORM)
    # mean over context window
    x = rows.mean(axis=1)  # [B, DIM]
    # linear projection to vocab logits
    out = x @ linear_weight.T + linear_bias  # [B, VOCAB]
    return out

if __name__ == "__main__":
    import jax
    _d = setup_inputs()
    print(jax.jit(kernel)(*tuple(_d.values())))

</pallas_src>

<mosaic_0001>
#map = affine_map<(d0, d1) -> (0, 0)>
module attributes {stable_mosaic.version = 14 : i64} {
  func.func @gather_kernel(%arg0: i32, %arg1: i32, %arg2: memref<256x128xi32, #tpu.memory_space<hbm>>, %arg3: memref<100000x384xf32, #tpu.memory_space<hbm>>, %arg4: memref<20480x384xf32, #tpu.memory_space<hbm>>, %arg5: memref<8x128xi32, #tpu.memory_space<vmem>>, %arg6: memref<128x384xf32, #tpu.memory_space<vmem>>, %arg7: memref<!tpu.dma_semaphore, #tpu.memory_space<semaphore_mem>>) attributes {dimension_semantics = [#tpu.dimension_semantics<core_parallel>, #tpu.dimension_semantics<subcore_parallel>], iteration_bounds = array<i64: 2, 16>, scalar_prefetch = 0 : i64, scratch_operands = 3 : i64, tpu.core_type = #tpu.core_type<sc_vector_subcore>, window_params = [{transform_indices = #map}, {transform_indices = #map}, {transform_indices = #map}]} {
    %mul3A = arith.constant 2 : i32
    %mul3A_0 = arith.muli %arg1, %mul3A : i32
    %add3A = arith.addi %mul3A_0, %arg0 : i32
    %mul3A_1 = arith.constant 640 : i32
    %mul3A_2 = arith.muli %add3A, %mul3A_1 : i32
    %mul3A_3 = arith.constant 8 : i32
    %mul3A_4 = arith.muli %add3A, %mul3A_3 : i32
    "tpu.region"() ({
      %run_scoped3A = tpu.sem_alloc : memref<!tpu.dma_semaphore, #tpu.memory_space<semaphore_mem>>
      %dma_start3A_83 = arith.constant 0 : i32
      %dma_start3A_84 = tpu.memref_slice %arg2[%mul3A_4, %dma_start3A_83] : memref<256x128xi32, #tpu.memory_space<hbm>> -> memref<8x128xi32, #tpu.memory_space<hbm>>
      %dma_start3A_85 = arith.constant 0 : i32
      %dma_start3A_86 = tpu.memref_slice %arg2[%mul3A_4, %dma_start3A_85] : memref<256x128xi32, #tpu.memory_space<hbm>> -> memref<8x128xi32, #tpu.memory_space<hbm>>
      tpu.enqueue_dma source(%dma_start3A_86 : memref<8x128xi32, #tpu.memory_space<hbm>>) target(%arg5 : memref<8x128xi32, #tpu.memory_space<vmem>>) target_semaphore(%run_scoped3A : memref<!tpu.dma_semaphore, #tpu.memory_space<semaphore_mem>>)
      %dma_wait3A_87 = arith.constant 0 : i32
      %dma_wait3A_88 = tpu.memref_slice %arg2[%mul3A_4, %dma_wait3A_87] : memref<256x128xi32, #tpu.memory_space<hbm>> -> memref<8x128xi32, #tpu.memory_space<hbm>>
      %dma_wait3A_89 = arith.constant 0 : i32
      %dma_wait3A_90 = tpu.memref_slice %arg2[%mul3A_4, %dma_wait3A_89] : memref<256x128xi32, #tpu.memory_space<hbm>> -> memref<8x128xi32, #tpu.memory_space<hbm>>
      tpu.wait_dma2 semaphore(%run_scoped3A : memref<!tpu.dma_semaphore, #tpu.memory_space<semaphore_mem>>) src(%dma_wait3A_90 : memref<8x128xi32, #tpu.memory_space<hbm>>) dst(%arg5 : memref<8x128xi32, #tpu.memory_space<vmem>>)
      tpu.yield
    }) : () -> ()
    %dma_start3A = arith.constant 0 : i32
    %dma_start3A_5 = arith.constant 0 : i32
    %dma_start3A_6 = tpu.memref_slice %arg5[%dma_start3A, %dma_start3A_5] : memref<8x128xi32, #tpu.memory_space<vmem>> -> memref<1x128xi32, #tpu.memory_space<vmem>>
    %dma_start3A_7 = tpu.memref_squeeze %dma_start3A_6 : memref<1x128xi32, #tpu.memory_space<vmem>> -> memref<128xi32, #tpu.memory_space<vmem>>
    %dma_start3A_8 = arith.constant 0 : i32
    %dma_start3A_9 = arith.constant 0 : i32
    %dma_start3A_10 = tpu.memref_slice %arg3[%dma_start3A_8, %dma_start3A_9] : memref<100000x384xf32, #tpu.memory_space<hbm>> -> memref<100000x384xf32, #tpu.memory_space<hbm>>
    tpu.enqueue_indirect_dma source(%dma_start3A_10 : memref<100000x384xf32, #tpu.memory_space<hbm>>) target(%arg6 : memref<128x384xf32, #tpu.memory_space<vmem>>) offsets(%dma_start3A_7 : memref<128xi32, #tpu.memory_space<vmem>>) semaphore(%arg7 : memref<!tpu.dma_semaphore, #tpu.memory_space<semaphore_mem>>)
    %dma_wait3A = arith.constant 0 : i32
    %dma_wait3A_11 = arith.constant 0 : i32
    %dma_wait3A_12 = tpu.memref_slice %arg5[%dma_wait3A, %dma_wait3A_11] : memref<8x128xi32, #tpu.memory_space<vmem>> -> memref<1x128xi32, #tpu.memory_space<vmem>>
    %dma_wait3A_13 = tpu.memref_squeeze %dma_wait3A_12 : memref<1x128xi32, #tpu.memory_space<vmem>> -> memref<128xi32, #tpu.memory_space<vmem>>
    %dma_wait3A_14 = arith.constant 0 : i32
    %dma_wait3A_15 = arith.constant 0 : i32
    %dma_wait3A_16 = tpu.memref_slice %arg3[%dma_wait3A_14, %dma_wait3A_15] : memref<100000x384xf32, #tpu.memory_space<hbm>> -> memref<100000x384xf32, #tpu.memory_space<hbm>>
    tpu.wait_indirect_dma semaphore(%arg7 : memref<!tpu.dma_semaphore, #tpu.memory_space<semaphore_mem>>) src(%dma_wait3A_16 : memref<100000x384xf32, #tpu.memory_space<hbm>>) dst(%arg6 : memref<128x384xf32, #tpu.memory_space<vmem>>)
    %add3A_17 = arith.constant 0 : i32
    %add3A_18 = arith.addi %mul3A_2, %add3A_17 : i32
    "tpu.region"() ({
      %run_scoped3A = tpu.sem_alloc : memref<!tpu.dma_semaphore, #tpu.memory_space<semaphore_mem>>
      %dma_start3A_83 = arith.constant 0 : i32
      %dma_start3A_84 = tpu.memref_slice %arg4[%add3A_18, %dma_start3A_83] : memref<20480x384xf32, #tpu.memory_space<hbm>> -> memref<128x384xf32, #tpu.memory_space<hbm>>
      %dma_start3A_85 = arith.constant 0 : i32
      %dma_start3A_86 = tpu.memref_slice %arg4[%add3A_18, %dma_start3A_85] : memref<20480x384xf32, #tpu.memory_space<hbm>> -> memref<128x384xf32, #tpu.memory_space<hbm>>
      tpu.enqueue_dma source(%arg6 : memref<128x384xf32, #tpu.memory_space<vmem>>) target(%dma_start3A_86 : memref<128x384xf32, #tpu.memory_space<hbm>>) target_semaphore(%run_scoped3A : memref<!tpu.dma_semaphore, #tpu.memory_space<semaphore_mem>>)
      %dma_wait3A_87 = arith.constant 0 : i32
      %dma_wait3A_88 = tpu.memref_slice %arg4[%add3A_18, %dma_wait3A_87] : memref<20480x384xf32, #tpu.memory_space<hbm>> -> memref<128x384xf32, #tpu.memory_space<hbm>>
      %dma_wait3A_89 = arith.constant 0 : i32
      %dma_wait3A_90 = tpu.memref_slice %arg4[%add3A_18, %dma_wait3A_89] : memref<20480x384xf32, #tpu.memory_space<hbm>> -> memref<128x384xf32, #tpu.memory_space<hbm>>
      tpu.wait_dma2 semaphore(%run_scoped3A : memref<!tpu.dma_semaphore, #tpu.memory_space<semaphore_mem>>) src(%arg6 : memref<128x384xf32, #tpu.memory_space<vmem>>) dst(%dma_wait3A_90 : memref<128x384xf32, #tpu.memory_space<hbm>>)
      tpu.yield
    }) : () -> ()
    %dma_start3A_19 = arith.constant 1 : i32
    %dma_start3A_20 = arith.constant 0 : i32
    %dma_start3A_21 = tpu.memref_slice %arg5[%dma_start3A_19, %dma_start3A_20] : memref<8x128xi32, #tpu.memory_space<vmem>> -> memref<1x128xi32, #tpu.memory_space<vmem>>
    %dma_start3A_22 = tpu.memref_squeeze %dma_start3A_21 : memref<1x128xi32, #tpu.memory_space<vmem>> -> memref<128xi32, #tpu.memory_space<vmem>>
    %dma_start3A_23 = arith.constant 0 : i32
    %dma_start3A_24 = arith.constant 0 : i32
    %dma_start3A_25 = tpu.memref_slice %arg3[%dma_start3A_23, %dma_start3A_24] : memref<100000x384xf32, #tpu.memory_space<hbm>> -> memref<100000x384xf32, #tpu.memory_space<hbm>>
    tpu.enqueue_indirect_dma source(%dma_start3A_25 : memref<100000x384xf32, #tpu.memory_space<hbm>>) target(%arg6 : memref<128x384xf32, #tpu.memory_space<vmem>>) offsets(%dma_start3A_22 : memref<128xi32, #tpu.memory_space<vmem>>) semaphore(%arg7 : memref<!tpu.dma_semaphore, #tpu.memory_space<semaphore_mem>>)
    %dma_wait3A_26 = arith.constant 1 : i32
    %dma_wait3A_27 = arith.constant 0 : i32
    %dma_wait3A_28 = tpu.memref_slice %arg5[%dma_wait3A_26, %dma_wait3A_27] : memref<8x128xi32, #tpu.memory_space<vmem>> -> memref<1x128xi32, #tpu.memory_space<vmem>>
    %dma_wait3A_29 = tpu.memref_squeeze %dma_wait3A_28 : memref<1x128xi32, #tpu.memory_space<vmem>> -> memref<128xi32, #tpu.memory_space<vmem>>
    %dma_wait3A_30 = arith.constant 0 : i32
    %dma_wait3A_31 = arith.constant 0 : i32
    %dma_wait3A_32 = tpu.memref_slice %arg3[%dma_wait3A_30, %dma_wait3A_31] : memref<100000x384xf32, #tpu.memory_space<hbm>> -> memref<100000x384xf32, #tpu.memory_space<hbm>>
    tpu.wait_indirect_dma semaphore(%arg7 : memref<!tpu.dma_semaphore, #tpu.memory_space<semaphore_mem>>) src(%dma_wait3A_32 : memref<100000x384xf32, #tpu.memory_space<hbm>>) dst(%arg6 : memref<128x384xf32, #tpu.memory_space<vmem>>)
    %add3A_33 = arith.constant 128 : i32
    %add3A_34 = arith.addi %mul3A_2, %add3A_33 : i32
    "tpu.region"() ({
      %run_scoped3A = tpu.sem_alloc : memref<!tpu.dma_semaphore, #tpu.memory_space<semaphore_mem>>
      %dma_start3A_83 = arith.constant 0 : i32
      %dma_start3A_84 = tpu.memref_slice %arg4[%add3A_34, %dma_start3A_83] : memref<20480x384xf32, #tpu.memory_space<hbm>> -> memref<128x384xf32, #tpu.memory_space<hbm>>
      %dma_start3A_85 = arith.constant 0 : i32
      %dma_start3A_86 = tpu.memref_slice %arg4[%add3A_34, %dma_start3A_85] : memref<20480x384xf32, #tpu.memory_space<hbm>> -> memref<128x384xf32, #tpu.memory_space<hbm>>
      tpu.enqueue_dma source(%arg6 : memref<128x384xf32, #tpu.memory_space<vmem>>) target(%dma_start3A_86 : memref<128x384xf32, #tpu.memory_space<hbm>>) target_semaphore(%run_scoped3A : memref<!tpu.dma_semaphore, #tpu.memory_space<semaphore_mem>>)
      %dma_wait3A_87 = arith.constant 0 : i32
      %dma_wait3A_88 = tpu.memref_slice %arg4[%add3A_34, %dma_wait3A_87] : memref<20480x384xf32, #tpu.memory_space<hbm>> -> memref<128x384xf32, #tpu.memory_space<hbm>>
      %dma_wait3A_89 = arith.constant 0 : i32
      %dma_wait3A_90 = tpu.memref_slice %arg4[%add3A_34, %dma_wait3A_89] : memref<20480x384xf32, #tpu.memory_space<hbm>> -> memref<128x384xf32, #tpu.memory_space<hbm>>
      tpu.wait_dma2 semaphore(%run_scoped3A : memref<!tpu.dma_semaphore, #tpu.memory_space<semaphore_mem>>) src(%arg6 : memref<128x384xf32, #tpu.memory_space<vmem>>) dst(%dma_wait3A_90 : memref<128x384xf32, #tpu.memory_space<hbm>>)
      tpu.yield
    }) : () -> ()
    %dma_start3A_35 = arith.constant 2 : i32
    %dma_start3A_36 = arith.constant 0 : i32
    %dma_start3A_37 = tpu.memref_slice %arg5[%dma_start3A_35, %dma_start3A_36] : memref<8x128xi32, #tpu.memory_space<vmem>> -> memref<1x128xi32, #tpu.memory_space<vmem>>
    %dma_start3A_38 = tpu.memref_squeeze %dma_start3A_37 : memref<1x128xi32, #tpu.memory_space<vmem>> -> memref<128xi32, #tpu.memory_space<vmem>>
    %dma_start3A_39 = arith.constant 0 : i32
    %dma_start3A_40 = arith.constant 0 : i32
    %dma_start3A_41 = tpu.memref_slice %arg3[%dma_start3A_39, %dma_start3A_40] : memref<100000x384xf32, #tpu.memory_space<hbm>> -> memref<100000x384xf32, #tpu.memory_space<hbm>>
    tpu.enqueue_indirect_dma source(%dma_start3A_41 : memref<100000x384xf32, #tpu.memory_space<hbm>>) target(%arg6 : memref<128x384xf32, #tpu.memory_space<vmem>>) offsets(%dma_start3A_38 : memref<128xi32, #tpu.memory_space<vmem>>) semaphore(%arg7 : memref<!tpu.dma_semaphore, #tpu.memory_space<semaphore_mem>>)
    %dma_wait3A_42 = arith.constant 2 : i32
    %dma_wait3A_43 = arith.constant 0 : i32
    %dma_wait3A_44 = tpu.memref_slice %arg5[%dma_wait3A_42, %dma_wait3A_43] : memref<8x128xi32, #tpu.memory_space<vmem>> -> memref<1x128xi32, #tpu.memory_space<vmem>>
    %dma_wait3A_45 = tpu.memref_squeeze %dma_wait3A_44 : memref<1x128xi32, #tpu.memory_space<vmem>> -> memref<128xi32, #tpu.memory_space<vmem>>
    %dma_wait3A_46 = arith.constant 0 : i32
    %dma_wait3A_47 = arith.constant 0 : i32
    %dma_wait3A_48 = tpu.memref_slice %arg3[%dma_wait3A_46, %dma_wait3A_47] : memref<100000x384xf32, #tpu.memory_space<hbm>> -> memref<100000x384xf32, #tpu.memory_space<hbm>>
    tpu.wait_indirect_dma semaphore(%arg7 : memref<!tpu.dma_semaphore, #tpu.memory_space<semaphore_mem>>) src(%dma_wait3A_48 : memref<100000x384xf32, #tpu.memory_space<hbm>>) dst(%arg6 : memref<128x384xf32, #tpu.memory_space<vmem>>)
    %add3A_49 = arith.constant 256 : i32
    %add3A_50 = arith.addi %mul3A_2, %add3A_49 : i32
    "tpu.region"() ({
      %run_scoped3A = tpu.sem_alloc : memref<!tpu.dma_semaphore, #tpu.memory_space<semaphore_mem>>
      %dma_start3A_83 = arith.constant 0 : i32
      %dma_start3A_84 = tpu.memref_slice %arg4[%add3A_50, %dma_start3A_83] : memref<20480x384xf32, #tpu.memory_space<hbm>> -> memref<128x384xf32, #tpu.memory_space<hbm>>
      %dma_start3A_85 = arith.constant 0 : i32
      %dma_start3A_86 = tpu.memref_slice %arg4[%add3A_50, %dma_start3A_85] : memref<20480x384xf32, #tpu.memory_space<hbm>> -> memref<128x384xf32, #tpu.memory_space<hbm>>
      tpu.enqueue_dma source(%arg6 : memref<128x384xf32, #tpu.memory_space<vmem>>) target(%dma_start3A_86 : memref<128x384xf32, #tpu.memory_space<hbm>>) target_semaphore(%run_scoped3A : memref<!tpu.dma_semaphore, #tpu.memory_space<semaphore_mem>>)
      %dma_wait3A_87 = arith.constant 0 : i32
      %dma_wait3A_88 = tpu.memref_slice %arg4[%add3A_50, %dma_wait3A_87] : memref<20480x384xf32, #tpu.memory_space<hbm>> -> memref<128x384xf32, #tpu.memory_space<hbm>>
      %dma_wait3A_89 = arith.constant 0 : i32
      %dma_wait3A_90 = tpu.memref_slice %arg4[%add3A_50, %dma_wait3A_89] : memref<20480x384xf32, #tpu.memory_space<hbm>> -> memref<128x384xf32, #tpu.memory_space<hbm>>
      tpu.wait_dma2 semaphore(%run_scoped3A : memref<!tpu.dma_semaphore, #tpu.memory_space<semaphore_mem>>) src(%arg6 : memref<128x384xf32, #tpu.memory_space<vmem>>) dst(%dma_wait3A_90 : memref<128x384xf32, #tpu.memory_space<hbm>>)
      tpu.yield
    }) : () -> ()
    %dma_start3A_51 = arith.constant 3 : i32
    %dma_start3A_52 = arith.constant 0 : i32
    %dma_start3A_53 = tpu.memref_slice %arg5[%dma_start3A_51, %dma_start3A_52] : memref<8x128xi32, #tpu.memory_space<vmem>> -> memref<1x128xi32, #tpu.memory_space<vmem>>
    %dma_start3A_54 = tpu.memref_squeeze %dma_start3A_53 : memref<1x128xi32, #tpu.memory_space<vmem>> -> memref<128xi32, #tpu.memory_space<vmem>>
    %dma_start3A_55 = arith.constant 0 : i32
    %dma_start3A_56 = arith.constant 0 : i32
    %dma_start3A_57 = tpu.memref_slice %arg3[%dma_start3A_55, %dma_start3A_56] : memref<100000x384xf32, #tpu.memory_space<hbm>> -> memref<100000x384xf32, #tpu.memory_space<hbm>>
    tpu.enqueue_indirect_dma source(%dma_start3A_57 : memref<100000x384xf32, #tpu.memory_space<hbm>>) target(%arg6 : memref<128x384xf32, #tpu.memory_space<vmem>>) offsets(%dma_start3A_54 : memref<128xi32, #tpu.memory_space<vmem>>) semaphore(%arg7 : memref<!tpu.dma_semaphore, #tpu.memory_space<semaphore_mem>>)
    %dma_wait3A_58 = arith.constant 3 : i32
    %dma_wait3A_59 = arith.constant 0 : i32
    %dma_wait3A_60 = tpu.memref_slice %arg5[%dma_wait3A_58, %dma_wait3A_59] : memref<8x128xi32, #tpu.memory_space<vmem>> -> memref<1x128xi32, #tpu.memory_space<vmem>>
    %dma_wait3A_61 = tpu.memref_squeeze %dma_wait3A_60 : memref<1x128xi32, #tpu.memory_space<vmem>> -> memref<128xi32, #tpu.memory_space<vmem>>
    %dma_wait3A_62 = arith.constant 0 : i32
    %dma_wait3A_63 = arith.constant 0 : i32
    %dma_wait3A_64 = tpu.memref_slice %arg3[%dma_wait3A_62, %dma_wait3A_63] : memref<100000x384xf32, #tpu.memory_space<hbm>> -> memref<100000x384xf32, #tpu.memory_space<hbm>>
    tpu.wait_indirect_dma semaphore(%arg7 : memref<!tpu.dma_semaphore, #tpu.memory_space<semaphore_mem>>) src(%dma_wait3A_64 : memref<100000x384xf32, #tpu.memory_space<hbm>>) dst(%arg6 : memref<128x384xf32, #tpu.memory_space<vmem>>)
    %add3A_65 = arith.constant 384 : i32
    %add3A_66 = arith.addi %mul3A_2, %add3A_65 : i32
    "tpu.region"() ({
      %run_scoped3A = tpu.sem_alloc : memref<!tpu.dma_semaphore, #tpu.memory_space<semaphore_mem>>
      %dma_start3A_83 = arith.constant 0 : i32
      %dma_start3A_84 = tpu.memref_slice %arg4[%add3A_66, %dma_start3A_83] : memref<20480x384xf32, #tpu.memory_space<hbm>> -> memref<128x384xf32, #tpu.memory_space<hbm>>
      %dma_start3A_85 = arith.constant 0 : i32
      %dma_start3A_86 = tpu.memref_slice %arg4[%add3A_66, %dma_start3A_85] : memref<20480x384xf32, #tpu.memory_space<hbm>> -> memref<128x384xf32, #tpu.memory_space<hbm>>
      tpu.enqueue_dma source(%arg6 : memref<128x384xf32, #tpu.memory_space<vmem>>) target(%dma_start3A_86 : memref<128x384xf32, #tpu.memory_space<hbm>>) target_semaphore(%run_scoped3A : memref<!tpu.dma_semaphore, #tpu.memory_space<semaphore_mem>>)
      %dma_wait3A_87 = arith.constant 0 : i32
      %dma_wait3A_88 = tpu.memref_slice %arg4[%add3A_66, %dma_wait3A_87] : memref<20480x384xf32, #tpu.memory_space<hbm>> -> memref<128x384xf32, #tpu.memory_space<hbm>>
      %dma_wait3A_89 = arith.constant 0 : i32
      %dma_wait3A_90 = tpu.memref_slice %arg4[%add3A_66, %dma_wait3A_89] : memref<20480x384xf32, #tpu.memory_space<hbm>> -> memref<128x384xf32, #tpu.memory_space<hbm>>
      tpu.wait_dma2 semaphore(%run_scoped3A : memref<!tpu.dma_semaphore, #tpu.memory_space<semaphore_mem>>) src(%arg6 : memref<128x384xf32, #tpu.memory_space<vmem>>) dst(%dma_wait3A_90 : memref<128x384xf32, #tpu.memory_space<hbm>>)
      tpu.yield
    }) : () -> ()
    %dma_start3A_67 = arith.constant 4 : i32
    %dma_start3A_68 = arith.constant 0 : i32
    %dma_start3A_69 = tpu.memref_slice %arg5[%dma_start3A_67, %dma_start3A_68] : memref<8x128xi32, #tpu.memory_space<vmem>> -> memref<1x128xi32, #tpu.memory_space<vmem>>
    %dma_start3A_70 = tpu.memref_squeeze %dma_start3A_69 : memref<1x128xi32, #tpu.memory_space<vmem>> -> memref<128xi32, #tpu.memory_space<vmem>>
    %dma_start3A_71 = arith.constant 0 : i32
    %dma_start3A_72 = arith.constant 0 : i32
    %dma_start3A_73 = tpu.memref_slice %arg3[%dma_start3A_71, %dma_start3A_72] : memref<100000x384xf32, #tpu.memory_space<hbm>> -> memref<100000x384xf32, #tpu.memory_space<hbm>>
    tpu.enqueue_indirect_dma source(%dma_start3A_73 : memref<100000x384xf32, #tpu.memory_space<hbm>>) target(%arg6 : memref<128x384xf32, #tpu.memory_space<vmem>>) offsets(%dma_start3A_70 : memref<128xi32, #tpu.memory_space<vmem>>) semaphore(%arg7 : memref<!tpu.dma_semaphore, #tpu.memory_space<semaphore_mem>>)
    %dma_wait3A_74 = arith.constant 4 : i32
    %dma_wait3A_75 = arith.constant 0 : i32
    %dma_wait3A_76 = tpu.memref_slice %arg5[%dma_wait3A_74, %dma_wait3A_75] : memref<8x128xi32, #tpu.memory_space<vmem>> -> memref<1x128xi32, #tpu.memory_space<vmem>>
    %dma_wait3A_77 = tpu.memref_squeeze %dma_wait3A_76 : memref<1x128xi32, #tpu.memory_space<vmem>> -> memref<128xi32, #tpu.memory_space<vmem>>
    %dma_wait3A_78 = arith.constant 0 : i32
    %dma_wait3A_79 = arith.constant 0 : i32
    %dma_wait3A_80 = tpu.memref_slice %arg3[%dma_wait3A_78, %dma_wait3A_79] : memref<100000x384xf32, #tpu.memory_space<hbm>> -> memref<100000x384xf32, #tpu.memory_space<hbm>>
    tpu.wait_indirect_dma semaphore(%arg7 : memref<!tpu.dma_semaphore, #tpu.memory_space<semaphore_mem>>) src(%dma_wait3A_80 : memref<100000x384xf32, #tpu.memory_space<hbm>>) dst(%arg6 : memref<128x384xf32, #tpu.memory_space<vmem>>)
    %add3A_81 = arith.constant 512 : i32
    %add3A_82 = arith.addi %mul3A_2, %add3A_81 : i32
    "tpu.region"() ({
      %run_scoped3A = tpu.sem_alloc : memref<!tpu.dma_semaphore, #tpu.memory_space<semaphore_mem>>
      %dma_start3A_83 = arith.constant 0 : i32
      %dma_start3A_84 = tpu.memref_slice %arg4[%add3A_82, %dma_start3A_83] : memref<20480x384xf32, #tpu.memory_space<hbm>> -> memref<128x384xf32, #tpu.memory_space<hbm>>
      %dma_start3A_85 = arith.constant 0 : i32
      %dma_start3A_86 = tpu.memref_slice %arg4[%add3A_82, %dma_start3A_85] : memref<20480x384xf32, #tpu.memory_space<hbm>> -> memref<128x384xf32, #tpu.memory_space<hbm>>
      tpu.enqueue_dma source(%arg6 : memref<128x384xf32, #tpu.memory_space<vmem>>) target(%dma_start3A_86 : memref<128x384xf32, #tpu.memory_space<hbm>>) target_semaphore(%run_scoped3A : memref<!tpu.dma_semaphore, #tpu.memory_space<semaphore_mem>>)
      %dma_wait3A_87 = arith.constant 0 : i32
      %dma_wait3A_88 = tpu.memref_slice %arg4[%add3A_82, %dma_wait3A_87] : memref<20480x384xf32, #tpu.memory_space<hbm>> -> memref<128x384xf32, #tpu.memory_space<hbm>>
      %dma_wait3A_89 = arith.constant 0 : i32
      %dma_wait3A_90 = tpu.memref_slice %arg4[%add3A_82, %dma_wait3A_89] : memref<20480x384xf32, #tpu.memory_space<hbm>> -> memref<128x384xf32, #tpu.memory_space<hbm>>
      tpu.wait_dma2 semaphore(%run_scoped3A : memref<!tpu.dma_semaphore, #tpu.memory_space<semaphore_mem>>) src(%arg6 : memref<128x384xf32, #tpu.memory_space<vmem>>) dst(%dma_wait3A_90 : memref<128x384xf32, #tpu.memory_space<hbm>>)
      tpu.yield
    }) : () -> ()
    return
  }
}

module attributes {stable_mosaic.version = 14 : i64} {
  func.func @body(%arg0: i32, %arg1: memref<300x2048xf32, #tpu.memory_space<vmem>>, %arg2: memref<2048x384xf32, #tpu.memory_space<vmem>>) attributes {dimension_semantics = [#tpu.dimension_semantics<arbitrary>], iteration_bounds = array<i64: 49>, scalar_prefetch = 0 : i64, scratch_operands = 0 : i64, tpu.core_type = #tpu.core_type<tc>, window_params = [{transform_indices = @transform_0, window_bounds = array<i64: 300, 2048>}, {transform_indices = @transform_1, window_bounds = array<i64: 2048, 384>}]} {
    %get3A = arith.constant 0 : index
    %get3A_0 = arith.constant 0 : index
    %get3A_1 = vector.load %arg1[%get3A, %get3A_0] : memref<300x2048xf32, #tpu.memory_space<vmem>>, vector<300x2048xf32>
    %transpose3A = tpu.transpose %get3A_1, [1, 0] : vector<300x2048xf32> -> vector<2048x300xf32>
    %swap3A = arith.constant 0 : index
    %swap3A_2 = arith.constant 0 : index
    %swap3A_3 = vector.load %arg2[%swap3A, %swap3A_2] : memref<2048x384xf32, #tpu.memory_space<vmem>>, vector<2048x300xf32>
    tpu.vector_store %arg2[%swap3A, %swap3A_2], %transpose3A {strides = array<i32>} : memref<2048x384xf32, #tpu.memory_space<vmem>>, vector<2048x300xf32>,
    %broadcast_in_dim3A = arith.constant 0.000000e+00 : f32
    %broadcast_in_dim3A_4 = vector.broadcast %broadcast_in_dim3A : f32 to vector<2048x84xf32>
    %swap3A_5 = arith.constant 0 : index
    %swap3A_6 = arith.constant 300 : index
    %swap3A_7 = vector.load %arg2[%swap3A_5, %swap3A_6] : memref<2048x384xf32, #tpu.memory_space<vmem>>, vector<2048x84xf32>
    tpu.vector_store %arg2[%swap3A_5, %swap3A_6], %broadcast_in_dim3A_4 {strides = array<i32>} : memref<2048x384xf32, #tpu.memory_space<vmem>>, vector<2048x84xf32>,
    return
  }
  func.func @transform_0(%arg0: i32) -> (i32, i32) {
    %c0_i32 = arith.constant 0 : i32
    %c0_i32_0 = arith.constant 0 : i32
    return %c0_i32, %arg0 : i32, i32
  }
  func.func @transform_1(%arg0: i32) -> (i32, i32) {
    %c0_i32 = arith.constant 0 : i32
    %c0_i32_0 = arith.constant 0 : i32
    return %arg0, %c0_i32 : i32, i32
  }
}

module attributes {stable_mosaic.version = 14 : i64} {
  func.func @body(%arg0: i32, %arg1: memref<1024x384xf32, #tpu.memory_space<vmem>>, %arg2: memref<300x1024xf32, #tpu.memory_space<vmem>>, %arg3: memref<1x1024xf32, #tpu.memory_space<vmem>>, %arg4: memref<1024x1024xf32, #tpu.memory_space<vmem>>, %arg5: memref<1024x304xbf16, #tpu.memory_space<vmem>>, %arg6: memref<1024x384xf32, #tpu.memory_space<vmem>>, %arg7: memref<304x1024xbf16, #tpu.memory_space<vmem>>) attributes {dimension_semantics = [#tpu.dimension_semantics<arbitrary>], iteration_bounds = array<i64: 118>, scalar_prefetch = 0 : i64, scratch_operands = 3 : i64, tpu.core_type = #tpu.core_type<tc>, window_params = [{transform_indices = @transform_0, window_bounds = array<i64: 1024, 384>}, {transform_indices = @transform_1, window_bounds = array<i64: 300, 1024>}, {transform_indices = @transform_2, window_bounds = array<i64: 1, 1024>}, {transform_indices = @transform_3, window_bounds = array<i64: 1024, 1024>}]} {
    %lt3A = arith.constant 20 : i32
    %lt3A_0 = arith.cmpi slt, %arg0, %lt3A : i32
    %convert_element_type3A = arith.extui %lt3A_0 : i1 to i32
    %cond3A = arith.constant 0 : i32
    %cond3A_1 = arith.cmpi ne, %convert_element_type3A, %cond3A : i32
    scf.if %cond3A_1 {
      %get3A = arith.constant 0 : index
      %get3A_6 = arith.constant 0 : index
      %get3A_7 = vector.load %arg1[%get3A, %get3A_6] : memref<1024x384xf32, #tpu.memory_space<vmem>>, vector<1024x384xf32>
      %mul3A = arith.mulf %get3A_7, %get3A_7 : vector<1024x384xf32>
      %reduce_sum3A = arith.constant dense<0.000000e+00> : vector<1024xf32>
      %reduce_sum3A_8 = vector.multi_reduction <add>, %mul3A, %reduce_sum3A [1] : vector<1024x384xf32> to vector<1024xf32>
      %broadcast_in_dim3A = vector.shape_cast %reduce_sum3A_8 : vector<1024xf32> to vector<1024x1xf32>
      %gt3A = arith.constant 1.000000e+00 : f32
      %gt3A_9 = vector.broadcast %gt3A : f32 to vector<1024x1xf32>
      %gt3A_10 = arith.cmpf ogt, %broadcast_in_dim3A, %gt3A_9 : vector<1024x1xf32>
      %sqrt3A = math.sqrt %broadcast_in_dim3A : vector<1024x1xf32>
      %add3A = arith.constant 1.000000e-07 : f32
      %add3A_11 = vector.broadcast %add3A : f32 to vector<1024x1xf32>
      %add3A_12 = arith.addf %sqrt3A, %add3A_11 : vector<1024x1xf32>
      %div3A = arith.constant 1.000000e+00 : f32
      %div3A_13 = vector.broadcast %div3A : f32 to vector<1024x1xf32>
      %div3A_14 = arith.divf %div3A_13, %add3A_12 : vector<1024x1xf32>
      %jit3A = arith.constant 1.000000e+00 : f32
      %broadcast_in_dim3A_15 = vector.broadcast %jit3A : f32 to vector<1024x1xf32>
      %select_n3A = arith.select %gt3A_10, %div3A_14, %broadcast_in_dim3A_15 : vector<1024x1xi1>, vector<1024x1xf32>
      %mul3A_16 = vector.broadcast %select_n3A : vector<1024x1xf32> to vector<1024x384xf32>
      %mul3A_17 = arith.mulf %get3A_7, %mul3A_16 : vector<1024x384xf32>
      %eq3A = arith.constant 0 : i32
      %eq3A_18 = arith.cmpi eq, %arg0, %eq3A : i32
      %convert_element_type3A_19 = arith.extui %eq3A_18 : i1 to i32
      %cond3A_20 = arith.constant 0 : i32
      %cond3A_21 = arith.cmpi ne, %convert_element_type3A_19, %cond3A_20 : i32
      scf.if %cond3A_21 {
        %swap3A = arith.constant 0 : index
        %swap3A_32 = arith.constant 0 : index
        %swap3A_33 = vector.load %arg6[%swap3A, %swap3A_32] : memref<1024x384xf32, #tpu.memory_space<vmem>>, vector<1024x384xf32>
        tpu.vector_store %arg6[%swap3A, %swap3A_32], %mul3A_17 {strides = array<i32>} : memref<1024x384xf32, #tpu.memory_space<vmem>>, vector<1024x384xf32>,
      } else {
      }
      %gt3A_22 = arith.constant 0 : i32
      %gt3A_23 = arith.cmpi sgt, %arg0, %gt3A_22 : i32
      %convert_element_type3A_24 = arith.extui %gt3A_23 : i1 to i32
      %cond3A_25 = arith.constant 0 : i32
      %cond3A_26 = arith.cmpi ne, %convert_element_type3A_24, %cond3A_25 : i32
      scf.if %cond3A_26 {
        %get3A_32 = arith.constant 0 : index
        %get3A_33 = arith.constant 0 : index
        %get3A_34 = vector.load %arg6[%get3A_32, %get3A_33] : memref<1024x384xf32, #tpu.memory_space<vmem>>, vector<1024x384xf32>
        %add3A_35 = arith.addf %get3A_34, %mul3A_17 : vector<1024x384xf32>
        %swap3A = arith.constant 0 : index
        %swap3A_36 = arith.constant 0 : index
        %swap3A_37 = vector.load %arg6[%swap3A, %swap3A_36] : memref<1024x384xf32, #tpu.memory_space<vmem>>, vector<1024x384xf32>
        tpu.vector_store %arg6[%swap3A, %swap3A_36], %add3A_35 {strides = array<i32>} : memref<1024x384xf32, #tpu.memory_space<vmem>>, vector<1024x384xf32>,
      } else {
      }
      %eq3A_27 = arith.constant 19 : i32
      %eq3A_28 = arith.cmpi eq, %arg0, %eq3A_27 : i32
      %convert_element_type3A_29 = arith.extui %eq3A_28 : i1 to i32
      %cond3A_30 = arith.constant 0 : i32
      %cond3A_31 = arith.cmpi ne, %convert_element_type3A_29, %cond3A_30 : i32
      scf.if %cond3A_31 {
        %get3A_32 = arith.constant 0 : index
        %get3A_33 = arith.constant 0 : index
        %get3A_34 = vector.load %arg6[%get3A_32, %get3A_33] : memref<1024x384xf32, #tpu.memory_space<vmem>>, vector<1024x384xf32>
        %mul3A_35 = arith.constant 5.000000e-02 : f32
        %mul3A_36 = vector.broadcast %mul3A_35 : f32 to vector<1024x384xf32>
        %mul3A_37 = arith.mulf %get3A_34, %mul3A_36 : vector<1024x384xf32>
        %slice3A = vector.extract_strided_slice %mul3A_37 {offsets = [0, 0], sizes = [1024, 300], strides = [1, 1]} : vector<1024x384xf32> to vector<1024x300xf32>
        %convert_element_type3A_38 = arith.truncf %slice3A : vector<1024x300xf32> to vector<1024x300xbf16>
        %swap3A = arith.constant 0 : index
        %swap3A_39 = arith.constant 0 : index
        %swap3A_40 = vector.load %arg5[%swap3A, %swap3A_39] : memref<1024x304xbf16, #tpu.memory_space<vmem>>, vector<1024x300xbf16>
        tpu.vector_store %arg5[%swap3A, %swap3A_39], %convert_element_type3A_38 {strides = array<i32>} : memref<1024x304xbf16, #tpu.memory_space<vmem>>, vector<1024x300xbf16>,
        %broadcast_in_dim3A_41 = arith.constant 1.000000e+00 : bf16
        %broadcast_in_dim3A_42 = vector.broadcast %broadcast_in_dim3A_41 : bf16 to vector<1024x1xbf16>
        %broadcast_in_dim3A_43 = arith.constant 0.000000e+00 : bf16
        %broadcast_in_dim3A_44 = vector.broadcast %broadcast_in_dim3A_43 : bf16 to vector<1024x3xbf16>
        %concatenate3A = tpu.concatenate %broadcast_in_dim3A_42, %broadcast_in_dim3A_44 in 1 : vector<1024x1xbf16>, vector<1024x3xbf16> -> vector<1024x4xbf16>
        %swap3A_45 = arith.constant 0 : index
        %swap3A_46 = arith.constant 300 : index
        %swap3A_47 = vector.load %arg5[%swap3A_45, %swap3A_46] : memref<1024x304xbf16, #tpu.memory_space<vmem>>, vector<1024x4xbf16>
        tpu.vector_store %arg5[%swap3A_45, %swap3A_46], %concatenate3A {strides = array<i32>} : memref<1024x304xbf16, #tpu.memory_space<vmem>>, vector<1024x4xbf16>,
      } else {
      }
    } else {
    }
    %ge3A = arith.constant 20 : i32
    %ge3A_2 = arith.cmpi sge, %arg0, %ge3A : i32
    %convert_element_type3A_3 = arith.extui %ge3A_2 : i1 to i32
    %cond3A_4 = arith.constant 0 : i32
    %cond3A_5 = arith.cmpi ne, %convert_element_type3A_3, %cond3A_4 : i32
    scf.if %cond3A_5 {
      %get3A = arith.constant 0 : index
      %get3A_6 = arith.constant 0 : index
      %get3A_7 = vector.load %arg2[%get3A, %get3A_6] : memref<300x1024xf32, #tpu.memory_space<vmem>>, vector<300x1024xf32>
      %convert_element_type3A_8 = arith.truncf %get3A_7 : vector<300x1024xf32> to vector<300x1024xbf16>
      %swap3A = arith.constant 0 : index
      %swap3A_9 = arith.constant 0 : index
      %swap3A_10 = vector.load %arg7[%swap3A, %swap3A_9] : memref<304x1024xbf16, #tpu.memory_space<vmem>>, vector<300x1024xbf16>
      tpu.vector_store %arg7[%swap3A, %swap3A_9], %convert_element_type3A_8 {strides = array<i32>} : memref<304x1024xbf16, #tpu.memory_space<vmem>>, vector<300x1024xbf16>,
      %get3A_11 = arith.constant 0 : index
      %get3A_12 = arith.constant 0 : index
      %get3A_13 = vector.load %arg3[%get3A_11, %get3A_12] : memref<1x1024xf32, #tpu.memory_space<vmem>>, vector<1x1024xf32>
      %convert_element_type3A_14 = arith.truncf %get3A_13 : vector<1x1024xf32> to vector<1x1024xbf16>
      %swap3A_15 = arith.constant 300 : index
      %swap3A_16 = arith.constant 0 : index
      %swap3A_17 = vector.load %arg7[%swap3A_15, %swap3A_16] : memref<304x1024xbf16, #tpu.memory_space<vmem>>, vector<1x1024xbf16>
      tpu.vector_store %arg7[%swap3A_15, %swap3A_16], %convert_element_type3A_14 {strides = array<i32>} : memref<304x1024xbf16, #tpu.memory_space<vmem>>, vector<1x1024xbf16>,
      %eq3A = arith.constant 20 : i32
      %eq3A_18 = arith.cmpi eq, %arg0, %eq3A : i32
      %convert_element_type3A_19 = arith.extui %eq3A_18 : i1 to i32
      %cond3A_20 = arith.constant 0 : i32
      %cond3A_21 = arith.cmpi ne, %convert_element_type3A_19, %cond3A_20 : i32
      scf.if %cond3A_21 {
        %broadcast_in_dim3A = arith.constant 0.000000e+00 : bf16
        %broadcast_in_dim3A_32 = vector.broadcast %broadcast_in_dim3A : bf16 to vector<3x1024xbf16>
        %swap3A_33 = arith.constant 301 : index
        %swap3A_34 = arith.constant 0 : index
        %swap3A_35 = vector.load %arg7[%swap3A_33, %swap3A_34] : memref<304x1024xbf16, #tpu.memory_space<vmem>>, vector<3x1024xbf16>
        tpu.vector_store %arg7[%swap3A_33, %swap3A_34], %broadcast_in_dim3A_32 {strides = array<i32>} : memref<304x1024xbf16, #tpu.memory_space<vmem>>, vector<3x1024xbf16>,
      } else {
      }
      %get3A_22 = arith.constant 0 : index
      %get3A_23 = arith.constant 0 : index
      %get3A_24 = vector.load %arg7[%get3A_22, %get3A_23] : memref<304x1024xbf16, #tpu.memory_space<vmem>>, vector<304x1024xbf16>
      %get3A_25 = arith.constant 0 : index
      %get3A_26 = arith.constant 0 : index
      %get3A_27 = vector.load %arg5[%get3A_25, %get3A_26] : memref<1024x304xbf16, #tpu.memory_space<vmem>>, vector<1024x304xbf16>
      %dot_general3A = arith.constant dense<0.000000e+00> : vector<1024x1024xf32>
      %dot_general3A_28 = tpu.matmul %get3A_24, %get3A_27, %dot_general3A {dimension_numbers = #tpu.dot_dimension_numbers<[0], [1], [1], [0], [0, 1, 1, 0], [], []>, transpose_lhs_hint = false} : vector<304x1024xbf16>, vector<1024x304xbf16>, vector<1024x1024xf32> -> vector<1024x1024xf32>
      %swap3A_29 = arith.constant 0 : index
      %swap3A_30 = arith.constant 0 : index
      %swap3A_31 = vector.load %arg4[%swap3A_29, %swap3A_30] : memref<1024x1024xf32, #tpu.memory_space<vmem>>, vector<1024x1024xf32>
      tpu.vector_store %arg4[%swap3A_29, %swap3A_30], %dot_general3A_28 {strides = array<i32>} : memref<1024x1024xf32, #tpu.memory_space<vmem>>, vector<1024x1024xf32>,
    } else {
    }
    return
  }
  func.func @transform_0(%arg0: i32) -> (i32, i32) {
    %min3A = arith.constant 19 : i32
    %min3A_0 = arith.minsi %arg0, %min3A : i32
    %c0_i32 = arith.constant 0 : i32
    %c0_i32_1 = arith.constant 0 : i32
    return %min3A_0, %c0_i32 : i32, i32
  }
  func.func @transform_1(%arg0: i32) -> (i32, i32) {
    %sub3A = arith.constant 20 : i32
    %sub3A_0 = arith.subi %arg0, %sub3A : i32
    %max3A = arith.constant 0 : i32
    %max3A_1 = arith.maxsi %sub3A_0, %max3A : i32
    %c0_i32 = arith.constant 0 : i32
    %c0_i32_2 = arith.constant 0 : i32
    return %c0_i32, %max3A_1 : i32, i32
  }
  func.func @transform_2(%arg0: i32) -> (i32, i32) {
    %sub3A = arith.constant 20 : i32
    %sub3A_0 = arith.subi %arg0, %sub3A : i32
    %max3A = arith.constant 0 : i32
    %max3A_1 = arith.maxsi %sub3A_0, %max3A : i32
    %c0_i32 = arith.constant 0 : i32
    %c0_i32_2 = arith.constant 0 : i32
    return %c0_i32, %max3A_1 : i32, i32
  }
  func.func @transform_3(%arg0: i32) -> (i32, i32) {
    %sub3A = arith.constant 20 : i32
    %sub3A_0 = arith.subi %arg0, %sub3A : i32
    %max3A = arith.constant 0 : i32
    %max3A_1 = arith.maxsi %sub3A_0, %max3A : i32
    %c0_i32 = arith.constant 0 : i32
    %c0_i32_2 = arith.constant 0 : i32
    return %max3A_1, %c0_i32 : i32, i32
  }
}

</mosaic_0001>

<sc_bundles>
// kernel: kernel.5.cloned.1.call-start
scs
__scs_entry_jumppad:
0x0: {  	(pc) =	sbr.rel $0x88, $3  }
0x1: {  	(tag) =	ssettag $0x0;
	lr =	simm.s32 $0x1  }
0x2: {  	[smem:$0x3F9D] =	sst lr;
	_ =	strace $0xD0000000  }
0x3: {  	_ = 	snop  }
0x4: {  	_ = 	snop  }
0x5: {  	_ = 	snop  }
0x6: {  	_ = 	snop  }
0x7: {  	_ = 	snop  }
__scs_overlays_trampoline_lowered:
0x8: {  	[smem:$0x3FAC] =	sst s0  }
0x9: {  	[smem:$0x3FAD] =	sst s1  }
0xa: {  	[smem:$0x3FAE] =	sst s2  }
0xb: {  	[smem:$0x3FAF] =	sst s3  }
0xc: {  	[smem:$0x3FB0] =	sst s4  }
0xd: {  	[smem:$0x3FB1] =	sst s5  }
0xe: {  	[smem:$0x3FB2] =	sst s6  }
0xf: {  	[smem:$0x3FB3] =	sst s7  }
0x10: {  	[smem:$0x3FB4] =	sst s8  }
0x11: {  	[smem:$0x3FB5] =	sst s9;
	s0 =	simm.s32 @!p0 $0x0  }
0x12: {  	s1 =	sld [smem:$0x3F9B];
	s0 =	simm.s32 @p0 $0x1  }
0x13: {  	[smem:$0x3FB6] =	sst s0;
	s0 =	simm.s32 @!p1 $0x0  }
0x14: {  	s2 =	sld [smem:$0x3F9A];
	s0 =	simm.s32 @p1 $0x1  }
0x15: {  	[smem:$0x3FB7] =	sst s0;
	s0 =	simm.s32 @!p2 $0x0  }
0x16: {  	s3 =	sld [smem:$0x3FDB];
	s0 =	simm.s32 @p2 $0x1  }
0x17: {  	s4 =	simm.s32 $0x1BF5;
	[smem:$0x3FB9] =	sst s0  }
0x18: {  	s0 =	sld [smem:$0x3F9C];
	_ =	swait.ge [sflag:s4], $0x0  }
0x19: {  	s7 =	sld [smem:$0x3F9D]  }
0x1a: {  	s8 =	sadd.s32 $0xFFFFE003, lr  }
0x1b: {  	s9 =	sadd.s32 $0xFFFFFEF7, lr;
	s5 =	simm.s32 $0xFFFFFFFF;
	p2 =	slt.u32 s8, $0xFFFFF086  }
0x1c: {  	p1 =	slt.u32 s9, $0xF7A;
	s5 =	simm.s32 @!p2 $0x0  }
0x1d: {  	s5 =	simm.s32 @p1 $0x1;
	p0 =	seq.s32 s7, s2  }
0x1e: {  	s7 =	smul.u32 @!p0 $0xF7A, s2;
	p2 =	seq.s32 @!p0 s5, $0x0  }
0x1f: {  	s9 =	smul.u32 $0xF7A, s1;
	s8 =	simm.s32 @!p0 $0x1BF5;
	p2 =	por !p2, p0  }
0x20: {  	[sflag:s8] =	ssyncset.s32 @!p0 $0xFFFFF086;
	s6 =	sadd.s32 @!p0 s3, s7;
	s7 =	simm.s32 @!p0 $0x108  }
0x21: {  	s3 =	sadd.s32 s3, s9;
	s6 =	sadd.s32 @!p0 $0x88, s6;
	s7 =	simm.s32 @p2 $0x1082  }
0x22: {  	[simem:s7], [sflag:s8] =	dma.local @!p0 [hbm:s6], $0xF7A  }
0x23: {  	s9 =	sor.u32 $0xD0000000, s2;
	s6 =	simm.s32 $0x108;
	_ =	swait.ge @!p0 [sflag:s8], $0x0  }
0x24: {  	s3 =	sadd.s32 $0x88, s3;
	s6 =	simm.s32 @!p1 $0x1082;
	[sflag:s4] =	ssyncset.s32 $0xFFFFF086  }
0x25: {  	[simem:s6], [sflag:s4] =	dma.local [hbm:s3], $0xF7A  }
0x26: {  	[smem:$0x3F9D] =	sst s1;
	(tag) =	ssettag s2;
	_ =	strace s9  }
0x27: {  	s1 =	sld [smem:$0x3FAD]  }
0x28: {  	s2 =	sld [smem:$0x3FAE]  }
0x29: {  	s4 =	sld [smem:$0x3FB0]  }
0x2a: {  	p0 =	seq.s32 s5, $0x0;
	s5 =	sld [smem:$0x3FB1]  }
0x2b: {  	s6 =	sld [smem:$0x3FB2]  }
0x2c: {  	s7 =	sld [smem:$0x3FB3]  }
0x2d: {  	s3 =	simm.s32 $0x108;
	s8 =	sld [smem:$0x3FB4]  }
0x2e: {  	s3 =	simm.s32 @!p0 $0x1082;
	s9 =	sld [smem:$0x3FB5]  }
0x2f: {  	lr =	sadd.s32 s0, s3;
	s0 =	sld [smem:$0x3FAC]  }
0x30: {  	s3 =	sld [smem:$0x3FAF]  }
0x31: {  	[smem:$0x3FB8] =	sst s10  }
0x32: {  	s10 =	sld [smem:$0x3FB6];
	_ =	sdelay $0x3  }
0x33: {  	p0 =	seq.s32 s10, $0x1;
	s10 =	sld [smem:$0x3FB8];
	_ =	sdelay $0x3  }
0x34: {  	[smem:$0x3FB8] =	sst s10  }
0x35: {  	s10 =	sld [smem:$0x3FB7];
	_ =	sdelay $0x3  }
0x36: {  	p1 =	seq.s32 s10, $0x1;
	s10 =	sld [smem:$0x3FB8];
	_ =	sdelay $0x3  }
0x37: {  	[smem:$0x3FB8] =	sst s10  }
0x38: {  	s10 =	sld [smem:$0x3FB9]  }
0x39: {  	_ = 	snop;
	(pc) =	sbr.ind lr, $3  }
0x3a: {  	_ = 	snop  }
0x3b: {  	_ = 	snop  }
0x3c: {  	p2 =	seq.s32 s10, $0x1;
	s10 =	sld [smem:$0x3FB8]  }
0x3d: {  	_ =	shalt  }
0x3e: {  	_ =	shalt  }
0x3f: {  	_ =	shalt  }
0x40: {  	_ =	shalt  }
0x41: {  	_ =	shalt  }
0x42: {  	_ =	shalt  }
0x43: {  	_ =	shalt  }
0x44: {  	_ =	shalt  }
0x45: {  	_ =	shalt  }
0x46: {  	_ =	shalt  }
0x47: {  	_ =	shalt  }
0x48: {  	_ =	shalt  }
0x49: {  	_ =	shalt  }
0x4a: {  	_ =	shalt  }
0x4b: {  	_ =	shalt  }
0x4c: {  	_ =	shalt  }
0x4d: {  	_ =	shalt  }
0x4e: {  	_ =	shalt  }
0x4f: {  	_ =	shalt  }
0x50: {  	_ =	shalt  }
0x51: {  	_ =	shalt  }
0x52: {  	_ =	shalt  }
0x53: {  	_ =	shalt  }
0x54: {  	_ =	shalt  }
0x55: {  	_ =	shalt  }
0x56: {  	_ =	shalt  }
0x57: {  	_ =	shalt  }
0x58: {  	_ =	shalt  }
0x59: {  	_ =	shalt  }
0x5a: {  	_ =	shalt  }
0x5b: {  	_ =	shalt  }
0x5c: {  	_ =	shalt  }
0x5d: {  	_ =	shalt  }
0x5e: {  	_ =	shalt  }
0x5f: {  	_ =	shalt  }
0x60: {  	_ =	shalt  }
0x61: {  	_ =	shalt  }
0x62: {  	_ =	shalt  }
0x63: {  	_ =	shalt  }
0x64: {  	_ =	shalt  }
0x65: {  	_ =	shalt  }
0x66: {  	_ =	shalt  }
0x67: {  	_ =	shalt  }
0x68: {  	_ =	shalt  }
0x69: {  	_ =	shalt  }
0x6a: {  	_ =	shalt  }
0x6b: {  	_ =	shalt  }
0x6c: {  	_ =	shalt  }
0x6d: {  	_ =	shalt  }
0x6e: {  	_ =	shalt  }
0x6f: {  	_ =	shalt  }
0x70: {  	_ =	shalt  }
0x71: {  	_ =	shalt  }
0x72: {  	_ =	shalt  }
0x73: {  	_ =	shalt  }
0x74: {  	_ =	shalt  }
0x75: {  	_ =	shalt  }
0x76: {  	_ =	shalt  }
0x77: {  	_ =	shalt  }
0x78: {  	_ =	shalt  }
0x79: {  	_ =	shalt  }
0x7a: {  	_ =	shalt  }
0x7b: {  	_ =	shalt  }
0x7c: {  	_ =	shalt  }
0x7d: {  	_ =	shalt  }
0x7e: {  	_ =	shalt  }
0x7f: {  	_ =	shalt  }
0x80: {  	_ =	shalt  }
0x81: {  	_ =	shalt  }
0x82: {  	_ =	shalt  }
0x83: {  	_ =	shalt  }
0x84: {  	_ =	shalt  }
0x85: {  	_ =	shalt  }
0x86: {  	_ =	shalt  }
0x87: {  	_ =	shalt  }
.Lfunc_end0:
.L_simem_size_0:
called_computation_lowered:
.L_overlay_start_0:
0x88: {  	s2 =	sld [smem:$0x3FD9]  }
0x89: {  	s3 =	sld [smem:$0x3FFE];
	_ =	sdelay $0x1  }
0x8a: {  	s1 =	srdreg.scid  }
0x8b: {  	s0 =	sand.u32 $0x1, s1  }
0x8c: {  	s17 =	sshll.u32 s0, $0xA;
	s2 =	sadd.s32 s3, s2  }
0x8d: {  	s2 =	sadd.s32 s2, s17  }
0x8e: {  	[smem:$0x3FC4] =	sst s2  }
0x8f: {  	_ = 	snop  }
0x90: {  	s2 =	sld [smem:$0x3FD0];
	(tm) =	ssettm $0x1  }
0x91: {  	s18 =	sld [smem:$0x3FFB];
	_ =	sdelay $0x3  }
0x92: {  	_ =	strace s18  }
0x93: {  	s3 =	sld [smem:$0x3FFC];
	_ =	sdelay $0x3  }
0x94: {  	_ =	strace s3  }
0x95: {  	s3 =	sld [smem:$0x3FFD];
	_ =	sdelay $0x3  }
0x96: {  	_ =	strace s3  }
0x97: {  	_ =	strace $0x8FFFFFFF  }
0x98: {  	s19 =	sld [smem:$0x3FDB];
	_ =	sdelay $0x1  }
0x99: {  	s4 =	simm.s32 $_scs_section_size  }
0x9a: {  	s5 =	simm.s32 $_size__tile_overlayer_lowered;
	s6 =	simm.s32 $_tile_overlayer_lowered  }
0x9b: {  	s22 =	simm.s32 $0x1BFF;
	s21 =	sshll.u32 s6, $0x1;
	s3 =	sadd.s32 s4, s19  }
0x9c: {  	s7 =	simm.s32 $0x0;
	s20 =	sshll.u32 s5, $0x1;
	s5 =	sadd.s32 s21, s3  }
0x9d: {  	[timem:s7], [sflag:s22] =	dma.local [hbm:s5], s20  }
0x9e: {  	_ =	swait.ge [sflag:s22], s20  }
0x9f: {  	s4 =	ssub.s32 $0x0, s20;
	[sflag:s22] =	ssyncset.done $0x0  }
0xa0: {  	[sflag:s22] =	ssyncadd.s32 s4;
	_ =	sdelay $0x1  }
0xa1: {  	s23 =	simm.s32 $0x1B8B  }
0xa2: {  	_ =	swait.ge [sflag:s23], $0x1  }
0xa3: {  	[sflag:s23] =	ssyncset.done $0x0  }
0xa4: {  	s25 =	simm.s32 $0x1B8E;
	s24 =	sld [smem:$0x3FFE];
	[sflag:s23] =	ssyncadd.s32 $0xFFFFFFFF  }
0xa5: {  	s26 =	simm.s32 $execute0_lowered;
	[smem:$0x3FD2] =	sst s25  }
0xa6: {  	s5 =	sshll.u32 s26, $0x1;
	_ =	strace $0x80000046;
	[dreg:$0x1] =	wrdreg $0xFFFFFFFF  }
0xa7: {  	s28 =	simm.s32 $_size_execute0_lowered;
	s3 =	sadd.s32 s3, s5;
	[dreg:$0x0] =	wrdreg $0x0  }
0xa8: {  	s5 =	sshll.u32 s28, $0x1;
	[dreg:$0x2] =	wrdreg s3  }
0xa9: {  	[dreg:$0x3] =	wrdreg s5  }
0xaa: {  	[dreg:$0x4] =	wrdreg $0xC0  }
0xab: {  	_ =	task [dreg:s7], $0x5FFFF  }
0xac: {  	[dreg:$0x1] =	wrdreg $0xFFFFFFFF  }
0xad: {  	[dreg:$0x0] =	wrdreg $0x60  }
0xae: {  	[dreg:$0x2] =	wrdreg s24  }
0xaf: {  	[dreg:$0x3] =	wrdreg s2  }
0xb0: {  	[dreg:$0x4] =	wrdreg $0x9  }
0xb1: {  	_ =	task.clear_ibuf [dreg:s7], $0x5FFFF;
	_ =	strace $0x90000046  }
0xb2: {  	s29 =	simm.s32 $0x9;
	_ =	strace $0x80000048  }
0xb3: {  	_ =	swait.ge [sflag:s29], $0x1  }
0xb4: {  	[sflag:s29] =	ssyncadd.s32 $0xFFFFFFFF  }
0xb5: {  	_ =	strace $0x90000048  }
0xb6: {  	_ =	sfence  }
0xb7: {  	s30 =	sld [smem:$0x0];
	_ =	sdelay $0x2  }
0xb8: {  	s31 =	sshll.u32 s1, $0xD;
	s1 =	sshrl.u32 s1, $0x2  }
0xb9: {  	s3 =	sand.u32 $0x4000, s31;
	s1 =	sadd.s32 s1, s30  }
0xba: {  	s0 =	sor.u32 s3, s0;
	s1 =	sshll.u32 s1, $0x11  }
0xbb: {  	s0 =	sor.u32 s1, s0  }
0xbc: {  	s0 =	sadd.s32 $0x8F2B, s0  }
0xbd: {  	[sflag:s0] =	ssyncadd.remote.s32 $0x1  }
0xbe: {  	_ =	sfence.sel $0xFFFF  }
0xbf: {  	[dreg:$0x0] =	wrdreg $0xFFFFFFFF;
	(pc) =	sbr.abs _section_cstart, $3  }
0xc0: {  	[dreg:$0x1] =	wrdreg $0xFFFFFFFF  }
0xc1: {  	_ =	task.clear_ibuf [dreg:s7], $0x2FFFF;
	_ =	strace $0x9FFFFFFF  }
0xc2: {  	(tm) =	ssettm $0x7FFFFFFF  }
0xc3: {  	_ =	shalt  }
tec
execute0_lowered:
.L_overlay_start_1:
0x0: {  	(tag) =	ssettag $0x1  }
0x1: {  	s0 =	srdreg.scid;
	s1 =	stileid.u32  }
0x2: {  	s0 =	sand.u32 $0x1, s0;
	s1 =	sshll.u32 s1, $0x1  }
0x3: {  	s1 =	sor.u32 s0, s1  }
0x4: {  	s3 =	smul.u32 $0x280, s1  }
0x5: {  	s4 =	rddreg [dreg:$0x0]  }
0x6: {  	s2 =	rddreg [dreg:$0x1];
	s5 =	sshrl.u32 s3, $0x3  }
0x7: {  	s6 =	simm.s32 $0x2;
	s1 =	sshll.u32 s1, $0x7;
	s5 =	smul.u32 $0x180, s5  }
0x8: {  	s14 =	simm.s32 $0x1;
	s1 =	sadd.s32 s1, s4;
	s3 =	simm.s32 $0x0  }
0x9: {  	s1 =	sadd.s32 $0x600, s1;
	[smem:$0x7FF] =	sst s3;
	s5 =	sadd.s32 s5, s4  }
0xa: {  	_ =	strace $0x80000047;
	[dreg:$0x3] =	wrdreg s1;
	s25 =	sadd.s32 $0x1600, s5  }
0xb: {  	s0 =	ssub.s32 $0x2, s0;
	s26 =	sadd.s32 $0x2E00, s5;
	[dreg:$0x4] =	wrdreg s25  }
0xc: {  	s28 =	sshrl.u32 s0, $0x1;
	s29 =	sadd.s32 $0x4600, s5;
	[dreg:$0x5] =	wrdreg s26  }
0xd: {  	v2 =	vlaneseq.u32;
	s0 =	ssub.s32 s0, s28;
	s30 =	sadd.s32 $0x5E00, s5;
	[dreg:$0x6] =	wrdreg s29  }
0xe: {  	vm0 =	vmmov $0xffff;
	vm1 =	vmmov $0xff;
	v1 =	vshrl.u32 v2, $0x3;
	s4 =	sadd.s32 $0x100, s2;
	s31 =	sadd.s32 $0x7600, s5;
	[dreg:$0x7] =	wrdreg s30  }
0xf: {  	v0 =	vand.u32 $0x7, v2;
	v2 =	vor.u32 $0x8, v2;
	v1 =	vmul.u32 $0x8, v1;
	s5 =	smax.u32 s0, $0x1;
	[dreg:$0x8] =	wrdreg s31;
	s25 =	simm.s32 $0x400  }
.LBB2_1:
0x10: {  	s15 =	rddreg [dreg:$0x3]  }
0x11: {  	[tilespmem:s3], [sflag:$0x2] =	stream.linear.gather [hbm4b:s15+s3], $0x400, $0x38;
	[tilespmem:$0xC400] =	vst v63  }
0x12: {  	_ =	swait.ge [sflag:s6], $0x400  }
0x13: {  	[sflag:s6] =	ssyncset.done $0x0  }
0x14: {  	[sflag:s6] =	ssyncadd.s32 $0xFFFFFC00  }
0x15: {  	v3 =	vld [tilespmem:$0x0];
	_ =	sdelay $0x4  }
0x16: {  	v4 =	vshrl.u32 v3, $0x3  }
0x17: {  	v4 =	vmul.u32 $0x18, v4  }
0x18: {  	v3 =	vand.u32 $0x7, v3  }
0x19: {  	v3 =	vor.u32 v3, v4  }
0x1a: {  	v4 =	vperm.xlane v3, v0;
	_ =	sdelay $0x1  }
0x1b: {  	v4 =	vadd.s32 v1, v4;
	_ =	sdelay $0x1  }
0x1c: {  	v3 =	vperm.xlane v3, v2;
	_ =	sdelay $0x1  }
0x1d: {  	v3 =	vadd.s32 v1, v3  }
0x1e: {  	[tilespmem:s25], [sflag:$0x1] =	stream.indirect_vreg.gather [hbm4b:s2+s3], $0x80, v4, vm0, $0xb8;
	[tilespmem:$0xC400] =	vst v63  }
0x1f: {  	s0 =	simm.s32 $0xC00  }
0x20: {  	[tilespmem:s0], [sflag:$0x1] =	stream.indirect_vreg.gather [hbm4b:s4+s3], $0x80, v4, vm1, $0xb8;
	[tilespmem:$0xC400] =	vst v63  }
0x21: {  	s7 =	simm.s32 $0x1000  }
0x22: {  	[tilespmem:s7], [sflag:$0x1] =	stream.indirect_vreg.gather [hbm4b:s2+s3], $0x80, v3, vm0, $0xb8;
	[tilespmem:$0xC400] =	vst v63  }
0x23: {  	s8 =	simm.s32 $0x1800  }
0x24: {  	[tilespmem:s8], [sflag:$0x1] =	stream.indirect_vreg.gather [hbm4b:s4+s3], $0x80, v3, vm1, $0xb8;
	[tilespmem:$0xC400] =	vst v63  }
0x25: {  	v3 =	vld [tilespmem:$0x10];
	_ =	sdelay $0x4  }
0x26: {  	v25 =	vshrl.u32 v3, $0x3  }
0x27: {  	v4 =	vmul.u32 $0x18, v25  }
0x28: {  	v3 =	vand.u32 $0x7, v3  }
0x29: {  	v3 =	vor.u32 v3, v4  }
0x2a: {  	v4 =	vperm.xlane v3, v0;
	_ =	sdelay $0x1  }
0x2b: {  	v4 =	vadd.s32 v1, v4;
	_ =	sdelay $0x1  }
0x2c: {  	v3 =	vperm.xlane v3, v2;
	_ =	sdelay $0x1  }
0x2d: {  	s9 =	simm.s32 $0x1C00;
	v3 =	vadd.s32 v1, v3  }
0x2e: {  	[tilespmem:s9], [sflag:$0x1] =	stream.indirect_vreg.gather [hbm4b:s2+s3], $0x80, v4, vm0, $0xb8;
	[tilespmem:$0xC400] =	vst v63  }
0x2f: {  	s10 =	simm.s32 $0x2400  }
0x30: {  	[tilespmem:s10], [sflag:$0x1] =	stream.indirect_vreg.gather [hbm4b:s4+s3], $0x80, v4, vm1, $0xb8;
	[tilespmem:$0xC400] =	vst v63  }
0x31: {  	s11 =	simm.s32 $0x2800  }
0x32: {  	[tilespmem:s11], [sflag:$0x1] =	stream.indirect_vreg.gather [hbm4b:s2+s3], $0x80, v3, vm0, $0xb8;
	[tilespmem:$0xC400] =	vst v63  }
0x33: {  	s12 =	simm.s32 $0x3000  }
0x34: {  	[tilespmem:s12], [sflag:$0x1] =	stream.indirect_vreg.gather [hbm4b:s4+s3], $0x80, v3, vm1, $0xb8;
	[tilespmem:$0xC400] =	vst v63  }
0x35: {  	v3 =	vld [tilespmem:$0x20];
	_ =	sdelay $0x4  }
0x36: {  	v26 =	vshrl.u32 v3, $0x3  }
0x37: {  	v4 =	vmul.u32 $0x18, v26  }
0x38: {  	v3 =	vand.u32 $0x7, v3  }
0x39: {  	v3 =	vor.u32 v3, v4  }
0x3a: {  	v4 =	vperm.xlane v3, v0;
	_ =	sdelay $0x1  }
0x3b: {  	v4 =	vadd.s32 v1, v4;
	_ =	sdelay $0x1  }
0x3c: {  	v3 =	vperm.xlane v3, v2;
	_ =	sdelay $0x1  }
0x3d: {  	s13 =	simm.s32 $0x3400;
	v3 =	vadd.s32 v1, v3  }
0x3e: {  	[tilespmem:s13], [sflag:$0x1] =	stream.indirect_vreg.gather [hbm4b:s2+s3], $0x80, v4, vm0, $0xb8;
	[tilespmem:$0xC400] =	vst v63  }
0x3f: {  	s15 =	simm.s32 $0x3C00  }
0x40: {  	[tilespmem:s15], [sflag:$0x1] =	stream.indirect_vreg.gather [hbm4b:s4+s3], $0x80, v4, vm1, $0xb8;
	[tilespmem:$0xC400] =	vst v63  }
0x41: {  	s16 =	simm.s32 $0x4000  }
0x42: {  	[tilespmem:s16], [sflag:$0x1] =	stream.indirect_vreg.gather [hbm4b:s2+s3], $0x80, v3, vm0, $0xb8;
	[tilespmem:$0xC400] =	vst v63  }
0x43: {  	s17 =	simm.s32 $0x4800  }
0x44: {  	[tilespmem:s17], [sflag:$0x1] =	stream.indirect_vreg.gather [hbm4b:s4+s3], $0x80, v3, vm1, $0xb8;
	[tilespmem:$0xC400] =	vst v63  }
0x45: {  	v3 =	vld [tilespmem:$0x30];
	_ =	sdelay $0x4  }
0x46: {  	v27 =	vshrl.u32 v3, $0x3  }
0x47: {  	v4 =	vmul.u32 $0x18, v27  }
0x48: {  	v3 =	vand.u32 $0x7, v3  }
0x49: {  	v3 =	vor.u32 v3, v4  }
0x4a: {  	v4 =	vperm.xlane v3, v0;
	_ =	sdelay $0x1  }
0x4b: {  	v4 =	vadd.s32 v1, v4;
	_ =	sdelay $0x1  }
0x4c: {  	v3 =	vperm.xlane v3, v2;
	_ =	sdelay $0x1  }
0x4d: {  	s18 =	simm.s32 $0x4C00;
	v3 =	vadd.s32 v1, v3  }
0x4e: {  	[tilespmem:s18], [sflag:$0x1] =	stream.indirect_vreg.gather [hbm4b:s2+s3], $0x80, v4, vm0, $0xb8;
	[tilespmem:$0xC400] =	vst v63  }
0x4f: {  	s19 =	simm.s32 $0x5400  }
0x50: {  	[tilespmem:s19], [sflag:$0x1] =	stream.indirect_vreg.gather [hbm4b:s4+s3], $0x80, v4, vm1, $0xb8;
	[tilespmem:$0xC400] =	vst v63  }
0x51: {  	s20 =	simm.s32 $0x5800  }
0x52: {  	[tilespmem:s20], [sflag:$0x1] =	stream.indirect_vreg.gather [hbm4b:s2+s3], $0x80, v3, vm0, $0xb8;
	[tilespmem:$0xC400] =	vst v63  }
0x53: {  	s21 =	simm.s32 $0x6000  }
0x54: {  	[tilespmem:s21], [sflag:$0x1] =	stream.indirect_vreg.gather [hbm4b:s4+s3], $0x80, v3, vm1, $0xb8;
	[tilespmem:$0xC400] =	vst v63  }
0x55: {  	v3 =	vld [tilespmem:$0x40];
	_ =	sdelay $0x4  }
0x56: {  	v28 =	vshrl.u32 v3, $0x3  }
0x57: {  	v4 =	vmul.u32 $0x18, v28  }
0x58: {  	v3 =	vand.u32 $0x7, v3  }
0x59: {  	v3 =	vor.u32 v3, v4  }
0x5a: {  	v4 =	vperm.xlane v3, v0;
	_ =	sdelay $0x1  }
0x5b: {  	v4 =	vadd.s32 v1, v4;
	_ =	sdelay $0x1  }
0x5c: {  	v3 =	vperm.xlane v3, v2;
	_ =	sdelay $0x1  }
0x5d: {  	s22 =	simm.s32 $0x6400;
	v3 =	vadd.s32 v1, v3  }
0x5e: {  	[tilespmem:s22], [sflag:$0x1] =	stream.indirect_vreg.gather [hbm4b:s2+s3], $0x80, v4, vm0, $0xb8;
	[tilespmem:$0xC400] =	vst v63  }
0x5f: {  	s23 =	simm.s32 $0x6C00  }
0x60: {  	[tilespmem:s23], [sflag:$0x1] =	stream.indirect_vreg.gather [hbm4b:s4+s3], $0x80, v4, vm1, $0xb8;
	[tilespmem:$0xC400] =	vst v63  }
0x61: {  	s24 =	simm.s32 $0x7000  }
0x62: {  	[tilespmem:s24], [sflag:$0x1] =	stream.indirect_vreg.gather [hbm4b:s2+s3], $0x80, v3, vm0, $0xb8;
	[tilespmem:$0xC400] =	vst v63  }
0x63: {  	s26 =	simm.s32 $0x7800  }
0x64: {  	[tilespmem:s26], [sflag:$0x1] =	stream.indirect_vreg.gather [hbm4b:s4+s3], $0x80, v3, vm1, $0xb8;
	[tilespmem:$0xC400] =	vst v63  }
0x65: {  	v3 =	vld [tilespmem:$0x50];
	_ =	sdelay $0x4  }
0x66: {  	v29 =	vshrl.u32 v3, $0x3  }
0x67: {  	v4 =	vmul.u32 $0x18, v29  }
0x68: {  	v3 =	vand.u32 $0x7, v3  }
0x69: {  	v3 =	vor.u32 v3, v4  }
0x6a: {  	v4 =	vperm.xlane v3, v0;
	_ =	sdelay $0x1  }
0x6b: {  	v4 =	vadd.s32 v1, v4;
	_ =	sdelay $0x1  }
0x6c: {  	v3 =	vperm.xlane v3, v2;
	_ =	sdelay $0x1  }
0x6d: {  	s28 =	simm.s32 $0x7C00;
	v3 =	vadd.s32 v1, v3  }
0x6e: {  	[tilespmem:s28], [sflag:$0x1] =	stream.indirect_vreg.gather [hbm4b:s2+s3], $0x80, v4, vm0, $0xb8;
	[tilespmem:$0xC400] =	vst v63  }
0x6f: {  	s29 =	simm.s32 $0x8400  }
0x70: {  	[tilespmem:s29], [sflag:$0x1] =	stream.indirect_vreg.gather [hbm4b:s4+s3], $0x80, v4, vm1, $0xb8;
	[tilespmem:$0xC400] =	vst v63  }
0x71: {  	s30 =	simm.s32 $0x8800  }
0x72: {  	[tilespmem:s30], [sflag:$0x1] =	stream.indirect_vreg.gather [hbm4b:s2+s3], $0x80, v3, vm0, $0xb8;
	[tilespmem:$0xC400] =	vst v63  }
0x73: {  	s31 =	simm.s32 $0x9000  }
0x74: {  	[tilespmem:s31], [sflag:$0x1] =	stream.indirect_vreg.gather [hbm4b:s4+s3], $0x80, v3, vm1, $0xb8;
	[tilespmem:$0xC400] =	vst v63  }
0x75: {  	v3 =	vld [tilespmem:$0x60];
	_ =	sdelay $0x4  }
0x76: {  	v30 =	vshrl.u32 v3, $0x3  }
0x77: {  	v4 =	vmul.u32 $0x18, v30  }
0x78: {  	v3 =	vand.u32 $0x7, v3  }
0x79: {  	v3 =	vor.u32 v3, v4  }
0x7a: {  	v4 =	vperm.xlane v3, v0;
	_ =	sdelay $0x1  }
0x7b: {  	v4 =	vadd.s32 v1, v4;
	_ =	sdelay $0x1  }
0x7c: {  	v3 =	vperm.xlane v3, v2;
	_ =	sdelay $0x1  }
0x7d: {  	s13 =	simm.s32 $0x9400;
	v3 =	vadd.s32 v1, v3  }
0x7e: {  	[tilespmem:s13], [sflag:$0x1] =	stream.indirect_vreg.gather [hbm4b:s2+s3], $0x80, v4, vm0, $0xb8;
	[tilespmem:$0xC400] =	vst v63  }
0x7f: {  	s16 =	simm.s32 $0x9C00  }
0x80: {  	[tilespmem:s16], [sflag:$0x1] =	stream.indirect_vreg.gather [hbm4b:s4+s3], $0x80, v4, vm1, $0xb8;
	[tilespmem:$0xC400] =	vst v63  }
0x81: {  	s17 =	simm.s32 $0xA000  }
0x82: {  	[tilespmem:s17], [sflag:$0x1] =	stream.indirect_vreg.gather [hbm4b:s2+s3], $0x80, v3, vm0, $0xb8;
	[tilespmem:$0xC400] =	vst v63  }
0x83: {  	s18 =	simm.s32 $0xA800  }
0x84: {  	[tilespmem:s18], [sflag:$0x1] =	stream.indirect_vreg.gather [hbm4b:s4+s3], $0x80, v3, vm1, $0xb8;
	[tilespmem:$0xC400] =	vst v63  }
0x85: {  	v3 =	vld [tilespmem:$0x70];
	_ =	sdelay $0x4  }
0x86: {  	v31 =	vshrl.u32 v3, $0x3  }
0x87: {  	v4 =	vmul.u32 $0x18, v31  }
0x88: {  	v3 =	vand.u32 $0x7, v3  }
0x89: {  	v3 =	vor.u32 v3, v4  }
0x8a: {  	v4 =	vperm.xlane v3, v0;
	_ =	sdelay $0x1  }
0x8b: {  	v4 =	vadd.s32 v1, v4;
	_ =	sdelay $0x1  }
0x8c: {  	v3 =	vperm.xlane v3, v2;
	_ =	sdelay $0x1  }
0x8d: {  	s19 =	simm.s32 $0xAC00;
	v3 =	vadd.s32 v1, v3  }
0x8e: {  	[tilespmem:s19], [sflag:$0x1] =	stream.indirect_vreg.gather [hbm4b:s2+s3], $0x80, v4, vm0, $0xb8;
	[tilespmem:$0xC400] =	vst v63  }
0x8f: {  	s20 =	simm.s32 $0xB400  }
0x90: {  	[tilespmem:s20], [sflag:$0x1] =	stream.indirect_vreg.gather [hbm4b:s4+s3], $0x80, v4, vm1, $0xb8;
	[tilespmem:$0xC400] =	vst v63  }
0x91: {  	s21 =	simm.s32 $0xB800  }
0x92: {  	[tilespmem:s21], [sflag:$0x1] =	stream.indirect_vreg.gather [hbm4b:s2+s3], $0x80, v3, vm0, $0xb8;
	[tilespmem:$0xC400] =	vst v63  }
0x93: {  	s24 =	simm.s32 $0xC000  }
0x94: {  	[tilespmem:s24], [sflag:$0x1] =	stream.indirect_vreg.gather [hbm4b:s4+s3], $0x80, v3, vm1, $0xb8;
	[tilespmem:$0xC400] =	vst v63  }
0x95: {  	_ =	swait.ge [sflag:s14], $0xC000  }
0x96: {  	[sflag:s14] =	ssyncset.done $0x0  }
0x97: {  	s29 =	rddreg [dreg:$0x4];
	[sflag:s14] =	ssyncadd.s32 $0xFFFF4000  }
0x98: {  	[hbm4b:s29+s3] =	stream.linear.scatter [tilespmem:s25], [sflag:$0x2], $0xC000, $0x38;
	[tilespmem:$0xC400] =	vst v63  }
0x99: {  	_ =	swait.ge [sflag:s6], $0xC000  }
0x9a: {  	[sflag:s6] =	ssyncset.done $0x0  }
0x9b: {  	[sflag:s6] =	ssyncadd.s32 $0xFFFF4000  }
0x9c: {  	v3 =	vld [tilespmem:$0x80];
	_ =	sdelay $0x4  }
0x9d: {  	v32 =	vshrl.u32 v3, $0x3  }
0x9e: {  	v4 =	vmul.u32 $0x18, v32  }
0x9f: {  	v3 =	vand.u32 $0x7, v3  }
0xa0: {  	v3 =	vor.u32 v3, v4  }
0xa1: {  	v4 =	vperm.xlane v3, v0;
	_ =	sdelay $0x1  }
0xa2: {  	v4 =	vadd.s32 v1, v4;
	_ =	sdelay $0x1  }
0xa3: {  	v3 =	vperm.xlane v3, v2;
	_ =	sdelay $0x1  }
0xa4: {  	v3 =	vadd.s32 v1, v3  }
0xa5: {  	[tilespmem:s25], [sflag:$0x1] =	stream.indirect_vreg.gather [hbm4b:s2+s3], $0x80, v4, vm0, $0xb8;
	[tilespmem:$0xC400] =	vst v63  }
0xa6: {  	s1 =	simm.s32 $0xC00  }
0xa7: {  	[tilespmem:s1], [sflag:$0x1] =	stream.indirect_vreg.gather [hbm4b:s4+s3], $0x80, v4, vm1, $0xb8;
	[tilespmem:$0xC400] =	vst v63  }
0xa8: {  	s7 =	simm.s32 $0x1000  }
0xa9: {  	[tilespmem:s7], [sflag:$0x1] =	stream.indirect_vreg.gather [hbm4b:s2+s3], $0x80, v3, vm0, $0xb8;
	[tilespmem:$0xC400] =	vst v63  }
0xaa: {  	s16 =	simm.s32 $0x1800  }
0xab: {  	[tilespmem:s16], [sflag:$0x1] =	stream.indirect_vreg.gather [hbm4b:s4+s3], $0x80, v3, vm1, $0xb8;
	[tilespmem:$0xC400] =	vst v63  }
0xac: {  	v3 =	vld [tilespmem:$0x90];
	_ =	sdelay $0x4  }
0xad: {  	v33 =	vshrl.u32 v3, $0x3  }
0xae: {  	v4 =	vmul.u32 $0x18, v33  }
0xaf: {  	v3 =	vand.u32 $0x7, v3  }
0xb0: {  	v3 =	vor.u32 v3, v4  }
0xb1: {  	v4 =	vperm.xlane v3, v0;
	_ =	sdelay $0x1  }
0xb2: {  	v4 =	vadd.s32 v1, v4;
	_ =	sdelay $0x1  }
0xb3: {  	v3 =	vperm.xlane v3, v2;
	_ =	sdelay $0x1  }
0xb4: {  	s8 =	simm.s32 $0x1C00;
	v3 =	vadd.s32 v1, v3  }
0xb5: {  	[tilespmem:s8], [sflag:$0x1] =	stream.indirect_vreg.gather [hbm4b:s2+s3], $0x80, v4, vm0, $0xb8;
	[tilespmem:$0xC400] =	vst v63  }
0xb6: {  	s9 =	simm.s32 $0x2400  }
0xb7: {  	[tilespmem:s9], [sflag:$0x1] =	stream.indirect_vreg.gather [hbm4b:s4+s3], $0x80, v4, vm1, $0xb8;
	[tilespmem:$0xC400] =	vst v63  }
0xb8: {  	s10 =	simm.s32 $0x2800  }
0xb9: {  	[tilespmem:s10], [sflag:$0x1] =	stream.indirect_vreg.gather [hbm4b:s2+s3], $0x80, v3, vm0, $0xb8;
	[tilespmem:$0xC400] =	vst v63  }
0xba: {  	s12 =	simm.s32 $0x3000  }
0xbb: {  	[tilespmem:s12], [sflag:$0x1] =	stream.indirect_vreg.gather [hbm4b:s4+s3], $0x80, v3, vm1, $0xb8;
	[tilespmem:$0xC400] =	vst v63  }
0xbc: {  	v3 =	vld [tilespmem:$0xA0];
	_ =	sdelay $0x4  }
0xbd: {  	v34 =	vshrl.u32 v3, $0x3  }
0xbe: {  	v4 =	vmul.u32 $0x18, v34  }
0xbf: {  	v3 =	vand.u32 $0x7, v3  }
0xc0: {  	v3 =	vor.u32 v3, v4  }
0xc1: {  	v4 =	vperm.xlane v3, v0;
	_ =	sdelay $0x1  }
0xc2: {  	v4 =	vadd.s32 v1, v4;
	_ =	sdelay $0x1  }
0xc3: {  	v3 =	vperm.xlane v3, v2;
	_ =	sdelay $0x1  }
0xc4: {  	s11 =	simm.s32 $0x3400;
	v3 =	vadd.s32 v1, v3  }
0xc5: {  	[tilespmem:s11], [sflag:$0x1] =	stream.indirect_vreg.gather [hbm4b:s2+s3], $0x80, v4, vm0, $0xb8;
	[tilespmem:$0xC400] =	vst v63  }
0xc6: {  	s24 =	simm.s32 $0x3C00  }
0xc7: {  	[tilespmem:s24], [sflag:$0x1] =	stream.indirect_vreg.gather [hbm4b:s4+s3], $0x80, v4, vm1, $0xb8;
	[tilespmem:$0xC400] =	vst v63  }
0xc8: {  	s12 =	simm.s32 $0x4000  }
0xc9: {  	[tilespmem:s12], [sflag:$0x1] =	stream.indirect_vreg.gather [hbm4b:s2+s3], $0x80, v3, vm0, $0xb8;
	[tilespmem:$0xC400] =	vst v63  }
0xca: {  	s13 =	simm.s32 $0x4800  }
0xcb: {  	[tilespmem:s13], [sflag:$0x1] =	stream.indirect_vreg.gather [hbm4b:s4+s3], $0x80, v3, vm1, $0xb8;
	[tilespmem:$0xC400] =	vst v63  }
0xcc: {  	v3 =	vld [tilespmem:$0xB0];
	_ =	sdelay $0x4  }
0xcd: {  	v35 =	vshrl.u32 v3, $0x3  }
0xce: {  	v4 =	vmul.u32 $0x18, v35  }
0xcf: {  	v3 =	vand.u32 $0x7, v3  }
0xd0: {  	v3 =	vor.u32 v3, v4  }
0xd1: {  	v4 =	vperm.xlane v3, v0;
	_ =	sdelay $0x1  }
0xd2: {  	v4 =	vadd.s32 v1, v4;
	_ =	sdelay $0x1  }
0xd3: {  	v3 =	vperm.xlane v3, v2;
	_ =	sdelay $0x1  }
0xd4: {  	s17 =	simm.s32 $0x4C00;
	v3 =	vadd.s32 v1, v3  }
0xd5: {  	[tilespmem:s17], [sflag:$0x1] =	stream.indirect_vreg.gather [hbm4b:s2+s3], $0x80, v4, vm0, $0xb8;
	[tilespmem:$0xC400] =	vst v63  }
0xd6: {  	s18 =	simm.s32 $0x5400  }
0xd7: {  	[tilespmem:s18], [sflag:$0x1] =	stream.indirect_vreg.gather [hbm4b:s4+s3], $0x80, v4, vm1, $0xb8;
	[tilespmem:$0xC400] =	vst v63  }
0xd8: {  	s19 =	simm.s32 $0x5800  }
0xd9: {  	[tilespmem:s19], [sflag:$0x1] =	stream.indirect_vreg.gather [hbm4b:s2+s3], $0x80, v3, vm0, $0xb8;
	[tilespmem:$0xC400] =	vst v63  }
0xda: {  	s20 =	simm.s32 $0x6000  }
0xdb: {  	[tilespmem:s20], [sflag:$0x1] =	stream.indirect_vreg.gather [hbm4b:s4+s3], $0x80, v3, vm1, $0xb8;
	[tilespmem:$0xC400] =	vst v63  }
0xdc: {  	v3 =	vld [tilespmem:$0xC0];
	_ =	sdelay $0x4  }
0xdd: {  	v36 =	vshrl.u32 v3, $0x3  }
0xde: {  	v4 =	vmul.u32 $0x18, v36  }
0xdf: {  	v3 =	vand.u32 $0x7, v3  }
0xe0: {  	v3 =	vor.u32 v3, v4  }
0xe1: {  	v4 =	vperm.xlane v3, v0;
	_ =	sdelay $0x1  }
0xe2: {  	v4 =	vadd.s32 v1, v4;
	_ =	sdelay $0x1  }
0xe3: {  	v3 =	vperm.xlane v3, v2;
	_ =	sdelay $0x1  }
0xe4: {  	s1 =	simm.s32 $0x6400;
	v3 =	vadd.s32 v1, v3  }
0xe5: {  	[tilespmem:s1], [sflag:$0x1] =	stream.indirect_vreg.gather [hbm4b:s2+s3], $0x80, v4, vm0, $0xb8;
	[tilespmem:$0xC400] =	vst v63  }
0xe6: {  	s0 =	simm.s32 $0x6C00  }
0xe7: {  	[tilespmem:s0], [sflag:$0x1] =	stream.indirect_vreg.gather [hbm4b:s4+s3], $0x80, v4, vm1, $0xb8;
	[tilespmem:$0xC400] =	vst v63  }
0xe8: {  	s7 =	simm.s32 $0x7000  }
0xe9: {  	[tilespmem:s7], [sflag:$0x1] =	stream.indirect_vreg.gather [hbm4b:s2+s3], $0x80, v3, vm0, $0xb8;
	[tilespmem:$0xC400] =	vst v63  }
0xea: {  	s11 =	simm.s32 $0x7800  }
0xeb: {  	[tilespmem:s11], [sflag:$0x1] =	stream.indirect_vreg.gather [hbm4b:s4+s3], $0x80, v3, vm1, $0xb8;
	[tilespmem:$0xC400] =	vst v63  }
0xec: {  	v3 =	vld [tilespmem:$0xD0];
	_ =	sdelay $0x4  }
0xed: {  	v37 =	vshrl.u32 v3, $0x3  }
0xee: {  	v4 =	vmul.u32 $0x18, v37  }
0xef: {  	v3 =	vand.u32 $0x7, v3  }
0xf0: {  	v3 =	vor.u32 v3, v4  }
0xf1: {  	v4 =	vperm.xlane v3, v0;
	_ =	sdelay $0x1  }
0xf2: {  	v4 =	vadd.s32 v1, v4;
	_ =	sdelay $0x1  }
0xf3: {  	v3 =	vperm.xlane v3, v2;
	_ =	sdelay $0x1  }
0xf4: {  	s8 =	simm.s32 $0x7C00;
	v3 =	vadd.s32 v1, v3  }
0xf5: {  	[tilespmem:s8], [sflag:$0x1] =	stream.indirect_vreg.gather [hbm4b:s2+s3], $0x80, v4, vm0, $0xb8;
	[tilespmem:$0xC400] =	vst v63  }
0xf6: {  	s9 =	simm.s32 $0x8400  }
0xf7: {  	[tilespmem:s9], [sflag:$0x1] =	stream.indirect_vreg.gather [hbm4b:s4+s3], $0x80, v4, vm1, $0xb8;
	[tilespmem:$0xC400] =	vst v63  }
0xf8: {  	s10 =	simm.s32 $0x8800  }
0xf9: {  	[tilespmem:s10], [sflag:$0x1] =	stream.indirect_vreg.gather [hbm4b:s2+s3], $0x80, v3, vm0, $0xb8;
	[tilespmem:$0xC400] =	vst v63  }
0xfa: {  	s23 =	simm.s32 $0x9000  }
0xfb: {  	[tilespmem:s23], [sflag:$0x1] =	stream.indirect_vreg.gather [hbm4b:s4+s3], $0x80, v3, vm1, $0xb8;
	[tilespmem:$0xC400] =	vst v63  }
0xfc: {  	v3 =	vld [tilespmem:$0xE0];
	_ =	sdelay $0x4  }
0xfd: {  	v38 =	vshrl.u32 v3, $0x3  }
0xfe: {  	v4 =	vmul.u32 $0x18, v38  }
0xff: {  	v3 =	vand.u32 $0x7, v3  }
0x100: {  	v3 =	vor.u32 v3, v4  }
0x101: {  	v4 =	vperm.xlane v3, v0;
	_ =	sdelay $0x1  }
0x102: {  	v4 =	vadd.s32 v1, v4;
	_ =	sdelay $0x1  }
0x103: {  	v3 =	vperm.xlane v3, v2;
	_ =	sdelay $0x1  }
0x104: {  	s30 =	simm.s32 $0x9400;
	v3 =	vadd.s32 v1, v3  }
0x105: {  	[tilespmem:s30], [sflag:$0x1] =	stream.indirect_vreg.gather [hbm4b:s2+s3], $0x80, v4, vm0, $0xb8;
	[tilespmem:$0xC400] =	vst v63  }
0x106: {  	s30 =	simm.s32 $0x9C00  }
0x107: {  	[tilespmem:s30], [sflag:$0x1] =	stream.indirect_vreg.gather [hbm4b:s4+s3], $0x80, v4, vm1, $0xb8;
	[tilespmem:$0xC400] =	vst v63  }
0x108: {  	s23 =	simm.s32 $0xA000  }
0x109: {  	[tilespmem:s23], [sflag:$0x1] =	stream.indirect_vreg.gather [hbm4b:s2+s3], $0x80, v3, vm0, $0xb8;
	[tilespmem:$0xC400] =	vst v63  }
0x10a: {  	s22 =	simm.s32 $0xA800  }
0x10b: {  	[tilespmem:s22], [sflag:$0x1] =	stream.indirect_vreg.gather [hbm4b:s4+s3], $0x80, v3, vm1, $0xb8;
	[tilespmem:$0xC400] =	vst v63  }
0x10c: {  	v3 =	vld [tilespmem:$0xF0];
	_ =	sdelay $0x4  }
0x10d: {  	v39 =	vshrl.u32 v3, $0x3  }
0x10e: {  	v4 =	vmul.u32 $0x18, v39  }
0x10f: {  	v3 =	vand.u32 $0x7, v3  }
0x110: {  	v3 =	vor.u32 v3, v4  }
0x111: {  	v4 =	vperm.xlane v3, v0;
	_ =	sdelay $0x1  }
0x112: {  	v4 =	vadd.s32 v1, v4;
	_ =	sdelay $0x1  }
0x113: {  	v3 =	vperm.xlane v3, v2;
	_ =	sdelay $0x1  }
0x114: {  	s26 =	simm.s32 $0xAC00;
	v3 =	vadd.s32 v1, v3  }
0x115: {  	[tilespmem:s26], [sflag:$0x1] =	stream.indirect_vreg.gather [hbm4b:s2+s3], $0x80, v4, vm0, $0xb8;
	[tilespmem:$0xC400] =	vst v63  }
0x116: {  	s28 =	simm.s32 $0xB400  }
0x117: {  	[tilespmem:s28], [sflag:$0x1] =	stream.indirect_vreg.gather [hbm4b:s4+s3], $0x80, v4, vm1, $0xb8;
	[tilespmem:$0xC400] =	vst v63  }
0x118: {  	s28 =	simm.s32 $0xB800  }
0x119: {  	[tilespmem:s28], [sflag:$0x1] =	stream.indirect_vreg.gather [hbm4b:s2+s3], $0x80, v3, vm0, $0xb8;
	[tilespmem:$0xC400] =	vst v63  }
0x11a: {  	s21 =	simm.s32 $0xC000  }
0x11b: {  	[tilespmem:s21], [sflag:$0x1] =	stream.indirect_vreg.gather [hbm4b:s4+s3], $0x80, v3, vm1, $0xb8;
	[tilespmem:$0xC400] =	vst v63  }
0x11c: {  	_ =	swait.ge [sflag:s14], $0xC000  }
0x11d: {  	[sflag:s14] =	ssyncset.done $0x0  }
0x11e: {  	s15 =	rddreg [dreg:$0x5];
	[sflag:s14] =	ssyncadd.s32 $0xFFFF4000  }
0x11f: {  	[hbm4b:s15+s3] =	stream.linear.scatter [tilespmem:s25], [sflag:$0x2], $0xC000, $0x38;
	[tilespmem:$0xC400] =	vst v63  }
0x120: {  	_ =	swait.ge [sflag:s6], $0xC000  }
0x121: {  	[sflag:s6] =	ssyncset.done $0x0  }
0x122: {  	[sflag:s6] =	ssyncadd.s32 $0xFFFF4000  }
0x123: {  	v3 =	vld [tilespmem:$0x100];
	_ =	sdelay $0x4  }
0x124: {  	v40 =	vshrl.u32 v3, $0x3  }
0x125: {  	v4 =	vmul.u32 $0x18, v40  }
0x126: {  	v3 =	vand.u32 $0x7, v3  }
0x127: {  	v3 =	vor.u32 v3, v4  }
0x128: {  	v4 =	vperm.xlane v3, v0;
	_ =	sdelay $0x1  }
0x129: {  	v4 =	vadd.s32 v1, v4;
	_ =	sdelay $0x1  }
0x12a: {  	v3 =	vperm.xlane v3, v2;
	_ =	sdelay $0x1  }
0x12b: {  	v3 =	vadd.s32 v1, v3  }
0x12c: {  	[tilespmem:s25], [sflag:$0x1] =	stream.indirect_vreg.gather [hbm4b:s2+s3], $0x80, v4, vm0, $0xb8;
	[tilespmem:$0xC400] =	vst v63  }
0x12d: {  	s31 =	simm.s32 $0xC00  }
0x12e: {  	[tilespmem:s31], [sflag:$0x1] =	stream.indirect_vreg.gather [hbm4b:s4+s3], $0x80, v4, vm1, $0xb8;
	[tilespmem:$0xC400] =	vst v63  }
0x12f: {  	s31 =	simm.s32 $0x1000  }
0x130: {  	[tilespmem:s31], [sflag:$0x1] =	stream.indirect_vreg.gather [hbm4b:s2+s3], $0x80, v3, vm0, $0xb8;
	[tilespmem:$0xC400] =	vst v63  }
0x131: {  	_ = 	snop  }
0x132: {  	[tilespmem:s16], [sflag:$0x1] =	stream.indirect_vreg.gather [hbm4b:s4+s3], $0x80, v3, vm1, $0xb8;
	[tilespmem:$0xC400] =	vst v63  }
0x133: {  	v3 =	vld [tilespmem:$0x110];
	_ =	sdelay $0x4  }
0x134: {  	v41 =	vshrl.u32 v3, $0x3  }
0x135: {  	v4 =	vmul.u32 $0x18, v41  }
0x136: {  	v3 =	vand.u32 $0x7, v3  }
0x137: {  	v3 =	vor.u32 v3, v4  }
0x138: {  	v4 =	vperm.xlane v3, v0;
	_ =	sdelay $0x1  }
0x139: {  	v4 =	vadd.s32 v1, v4;
	_ =	sdelay $0x1  }
0x13a: {  	v3 =	vperm.xlane v3, v2;
	_ =	sdelay $0x1  }
0x13b: {  	s31 =	simm.s32 $0x1C00;
	v3 =	vadd.s32 v1, v3  }
0x13c: {  	[tilespmem:s31], [sflag:$0x1] =	stream.indirect_vreg.gather [hbm4b:s2+s3], $0x80, v4, vm0, $0xb8;
	[tilespmem:$0xC400] =	vst v63  }
0x13d: {  	s31 =	simm.s32 $0x2400  }
0x13e: {  	[tilespmem:s31], [sflag:$0x1] =	stream.indirect_vreg.gather [hbm4b:s4+s3], $0x80, v4, vm1, $0xb8;
	[tilespmem:$0xC400] =	vst v63  }
0x13f: {  	s31 =	simm.s32 $0x2800  }
0x140: {  	[tilespmem:s31], [sflag:$0x1] =	stream.indirect_vreg.gather [hbm4b:s2+s3], $0x80, v3, vm0, $0xb8;
	[tilespmem:$0xC400] =	vst v63  }
0x141: {  	s31 =	simm.s32 $0x3000  }
0x142: {  	[tilespmem:s31], [sflag:$0x1] =	stream.indirect_vreg.gather [hbm4b:s4+s3], $0x80, v3, vm1, $0xb8;
	[tilespmem:$0xC400] =	vst v63  }
0x143: {  	v3 =	vld [tilespmem:$0x120];
	_ =	sdelay $0x4  }
0x144: {  	v42 =	vshrl.u32 v3, $0x3  }
0x145: {  	v4 =	vmul.u32 $0x18, v42  }
0x146: {  	v3 =	vand.u32 $0x7, v3  }
0x147: {  	v3 =	vor.u32 v3, v4  }
0x148: {  	v4 =	vperm.xlane v3, v0;
	_ =	sdelay $0x1  }
0x149: {  	v4 =	vadd.s32 v1, v4;
	_ =	sdelay $0x1  }
0x14a: {  	v3 =	vperm.xlane v3, v2;
	_ =	sdelay $0x1  }
0x14b: {  	s31 =	simm.s32 $0x3400;
	v3 =	vadd.s32 v1, v3  }
0x14c: {  	[tilespmem:s31], [sflag:$0x1] =	stream.indirect_vreg.gather [hbm4b:s2+s3], $0x80, v4, vm0, $0xb8;
	[tilespmem:$0xC400] =	vst v63  }
0x14d: {  	_ = 	snop  }
0x14e: {  	[tilespmem:s24], [sflag:$0x1] =	stream.indirect_vreg.gather [hbm4b:s4+s3], $0x80, v4, vm1, $0xb8;
	[tilespmem:$0xC400] =	vst v63  }
0x14f: {  	_ = 	snop  }
0x150: {  	[tilespmem:s12], [sflag:$0x1] =	stream.indirect_vreg.gather [hbm4b:s2+s3], $0x80, v3, vm0, $0xb8;
	[tilespmem:$0xC400] =	vst v63  }
0x151: {  	_ = 	snop  }
0x152: {  	[tilespmem:s13], [sflag:$0x1] =	stream.indirect_vreg.gather [hbm4b:s4+s3], $0x80, v3, vm1, $0xb8;
	[tilespmem:$0xC400] =	vst v63  }
0x153: {  	v3 =	vld [tilespmem:$0x130];
	_ =	sdelay $0x4  }
0x154: {  	v43 =	vshrl.u32 v3, $0x3  }
0x155: {  	v4 =	vmul.u32 $0x18, v43  }
0x156: {  	v3 =	vand.u32 $0x7, v3  }
0x157: {  	v3 =	vor.u32 v3, v4  }
0x158: {  	v4 =	vperm.xlane v3, v0;
	_ =	sdelay $0x1  }
0x159: {  	v4 =	vadd.s32 v1, v4;
	_ =	sdelay $0x1  }
0x15a: {  	v3 =	vperm.xlane v3, v2;
	_ =	sdelay $0x1  }
0x15b: {  	v3 =	vadd.s32 v1, v3  }
0x15c: {  	[tilespmem:s17], [sflag:$0x1] =	stream.indirect_vreg.gather [hbm4b:s2+s3], $0x80, v4, vm0, $0xb8;
	[tilespmem:$0xC400] =	vst v63  }
0x15d: {  	_ = 	snop  }
0x15e: {  	[tilespmem:s18], [sflag:$0x1] =	stream.indirect_vreg.gather [hbm4b:s4+s3], $0x80, v4, vm1, $0xb8;
	[tilespmem:$0xC400] =	vst v63  }
0x15f: {  	_ = 	snop  }
0x160: {  	[tilespmem:s19], [sflag:$0x1] =	stream.indirect_vreg.gather [hbm4b:s2+s3], $0x80, v3, vm0, $0xb8;
	[tilespmem:$0xC400] =	vst v63  }
0x161: {  	_ = 	snop  }
0x162: {  	[tilespmem:s20], [sflag:$0x1] =	stream.indirect_vreg.gather [hbm4b:s4+s3], $0x80, v3, vm1, $0xb8;
	[tilespmem:$0xC400] =	vst v63  }
0x163: {  	v3 =	vld [tilespmem:$0x140];
	_ =	sdelay $0x4  }
0x164: {  	v44 =	vshrl.u32 v3, $0x3  }
0x165: {  	v4 =	vmul.u32 $0x18, v44  }
0x166: {  	v3 =	vand.u32 $0x7, v3  }
0x167: {  	v3 =	vor.u32 v3, v4  }
0x168: {  	v4 =	vperm.xlane v3, v0;
	_ =	sdelay $0x1  }
0x169: {  	v4 =	vadd.s32 v1, v4;
	_ =	sdelay $0x1  }
0x16a: {  	v3 =	vperm.xlane v3, v2;
	_ =	sdelay $0x1  }
0x16b: {  	v3 =	vadd.s32 v1, v3  }
0x16c: {  	[tilespmem:s1], [sflag:$0x1] =	stream.indirect_vreg.gather [hbm4b:s2+s3], $0x80, v4, vm0, $0xb8;
	[tilespmem:$0xC400] =	vst v63  }
0x16d: {  	_ = 	snop  }
0x16e: {  	[tilespmem:s0], [sflag:$0x1] =	stream.indirect_vreg.gather [hbm4b:s4+s3], $0x80, v4, vm1, $0xb8;
	[tilespmem:$0xC400] =	vst v63  }
0x16f: {  	_ = 	snop  }
0x170: {  	[tilespmem:s7], [sflag:$0x1] =	stream.indirect_vreg.gather [hbm4b:s2+s3], $0x80, v3, vm0, $0xb8;
	[tilespmem:$0xC400] =	vst v63  }
0x171: {  	_ = 	snop  }
0x172: {  	[tilespmem:s11], [sflag:$0x1] =	stream.indirect_vreg.gather [hbm4b:s4+s3], $0x80, v3, vm1, $0xb8;
	[tilespmem:$0xC400] =	vst v63  }
0x173: {  	v3 =	vld [tilespmem:$0x150];
	_ =	sdelay $0x4  }
0x174: {  	v45 =	vshrl.u32 v3, $0x3  }
0x175: {  	v4 =	vmul.u32 $0x18, v45  }
0x176: {  	v3 =	vand.u32 $0x7, v3  }
0x177: {  	v3 =	vor.u32 v3, v4  }
0x178: {  	v4 =	vperm.xlane v3, v0;
	_ =	sdelay $0x1  }
0x179: {  	v4 =	vadd.s32 v1, v4;
	_ =	sdelay $0x1  }
0x17a: {  	v3 =	vperm.xlane v3, v2;
	_ =	sdelay $0x1  }
0x17b: {  	v3 =	vadd.s32 v1, v3  }
0x17c: {  	[tilespmem:s8], [sflag:$0x1] =	stream.indirect_vreg.gather [hbm4b:s2+s3], $0x80, v4, vm0, $0xb8;
	[tilespmem:$0xC400] =	vst v63  }
0x17d: {  	_ = 	snop  }
0x17e: {  	[tilespmem:s9], [sflag:$0x1] =	stream.indirect_vreg.gather [hbm4b:s4+s3], $0x80, v4, vm1, $0xb8;
	[tilespmem:$0xC400] =	vst v63  }
0x17f: {  	_ = 	snop  }
0x180: {  	[tilespmem:s10], [sflag:$0x1] =	stream.indirect_vreg.gather [hbm4b:s2+s3], $0x80, v3, vm0, $0xb8;
	[tilespmem:$0xC400] =	vst v63  }
0x181: {  	s15 =	simm.s32 $0x9000  }
0x182: {  	[tilespmem:s15], [sflag:$0x1] =	stream.indirect_vreg.gather [hbm4b:s4+s3], $0x80, v3, vm1, $0xb8;
	[tilespmem:$0xC400] =	vst v63  }
0x183: {  	v3 =	vld [tilespmem:$0x160];
	_ =	sdelay $0x4  }
0x184: {  	v46 =	vshrl.u32 v3, $0x3  }
0x185: {  	v4 =	vmul.u32 $0x18, v46  }
0x186: {  	v3 =	vand.u32 $0x7, v3  }
0x187: {  	v3 =	vor.u32 v3, v4  }
0x188: {  	v4 =	vperm.xlane v3, v0;
	_ =	sdelay $0x1  }
0x189: {  	v4 =	vadd.s32 v1, v4;
	_ =	sdelay $0x1  }
0x18a: {  	v3 =	vperm.xlane v3, v2;
	_ =	sdelay $0x1  }
0x18b: {  	s29 =	simm.s32 $0x9400;
	v3 =	vadd.s32 v1, v3  }
0x18c: {  	[tilespmem:s29], [sflag:$0x1] =	stream.indirect_vreg.gather [hbm4b:s2+s3], $0x80, v4, vm0, $0xb8;
	[tilespmem:$0xC400] =	vst v63  }
0x18d: {  	s30 =	simm.s32 $0x9C00  }
0x18e: {  	[tilespmem:s30], [sflag:$0x1] =	stream.indirect_vreg.gather [hbm4b:s4+s3], $0x80, v4, vm1, $0xb8;
	[tilespmem:$0xC400] =	vst v63  }
0x18f: {  	s23 =	simm.s32 $0xA000  }
0x190: {  	[tilespmem:s23], [sflag:$0x1] =	stream.indirect_vreg.gather [hbm4b:s2+s3], $0x80, v3, vm0, $0xb8;
	[tilespmem:$0xC400] =	vst v63  }
0x191: {  	s15 =	simm.s32 $0xA800  }
0x192: {  	[tilespmem:s15], [sflag:$0x1] =	stream.indirect_vreg.gather [hbm4b:s4+s3], $0x80, v3, vm1, $0xb8;
	[tilespmem:$0xC400] =	vst v63  }
0x193: {  	v3 =	vld [tilespmem:$0x170];
	_ =	sdelay $0x4  }
0x194: {  	v47 =	vshrl.u32 v3, $0x3  }
0x195: {  	v4 =	vmul.u32 $0x18, v47  }
0x196: {  	v3 =	vand.u32 $0x7, v3  }
0x197: {  	v3 =	vor.u32 v3, v4  }
0x198: {  	v4 =	vperm.xlane v3, v0;
	_ =	sdelay $0x1  }
0x199: {  	v4 =	vadd.s32 v1, v4;
	_ =	sdelay $0x1  }
0x19a: {  	v3 =	vperm.xlane v3, v2;
	_ =	sdelay $0x1  }
0x19b: {  	s22 =	simm.s32 $0xAC00;
	v3 =	vadd.s32 v1, v3  }
0x19c: {  	[tilespmem:s22], [sflag:$0x1] =	stream.indirect_vreg.gather [hbm4b:s2+s3], $0x80, v4, vm0, $0xb8;
	[tilespmem:$0xC400] =	vst v63  }
0x19d: {  	s26 =	simm.s32 $0xB400  }
0x19e: {  	[tilespmem:s26], [sflag:$0x1] =	stream.indirect_vreg.gather [hbm4b:s4+s3], $0x80, v4, vm1, $0xb8;
	[tilespmem:$0xC400] =	vst v63  }
0x19f: {  	s28 =	simm.s32 $0xB800  }
0x1a0: {  	[tilespmem:s28], [sflag:$0x1] =	stream.indirect_vreg.gather [hbm4b:s2+s3], $0x80, v3, vm0, $0xb8;
	[tilespmem:$0xC400] =	vst v63  }
0x1a1: {  	s21 =	simm.s32 $0xC000  }
0x1a2: {  	[tilespmem:s21], [sflag:$0x1] =	stream.indirect_vreg.gather [hbm4b:s4+s3], $0x80, v3, vm1, $0xb8;
	[tilespmem:$0xC400] =	vst v63  }
0x1a3: {  	_ =	swait.ge [sflag:s14], $0xC000  }
0x1a4: {  	[sflag:s14] =	ssyncset.done $0x0  }
0x1a5: {  	s21 =	rddreg [dreg:$0x6];
	[sflag:s14] =	ssyncadd.s32 $0xFFFF4000  }
0x1a6: {  	[hbm4b:s21+s3] =	stream.linear.scatter [tilespmem:s25], [sflag:$0x2], $0xC000, $0x38;
	[tilespmem:$0xC400] =	vst v63  }
0x1a7: {  	_ =	swait.ge [sflag:s6], $0xC000  }
0x1a8: {  	[sflag:s6] =	ssyncset.done $0x0  }
0x1a9: {  	[sflag:s6] =	ssyncadd.s32 $0xFFFF4000  }
0x1aa: {  	v3 =	vld [tilespmem:$0x180];
	_ =	sdelay $0x4  }
0x1ab: {  	v48 =	vshrl.u32 v3, $0x3  }
0x1ac: {  	v4 =	vmul.u32 $0x18, v48  }
0x1ad: {  	v3 =	vand.u32 $0x7, v3  }
0x1ae: {  	v3 =	vor.u32 v3, v4  }
0x1af: {  	v4 =	vperm.xlane v3, v0;
	_ =	sdelay $0x1  }
0x1b0: {  	v4 =	vadd.s32 v1, v4;
	_ =	sdelay $0x1  }
0x1b1: {  	v3 =	vperm.xlane v3, v2;
	_ =	sdelay $0x1  }
0x1b2: {  	v3 =	vadd.s32 v1, v3  }
0x1b3: {  	[tilespmem:s25], [sflag:$0x1] =	stream.indirect_vreg.gather [hbm4b:s2+s3], $0x80, v4, vm0, $0xb8;
	[tilespmem:$0xC400] =	vst v63  }
0x1b4: {  	s28 =	simm.s32 $0xC00  }
0x1b5: {  	[tilespmem:s28], [sflag:$0x1] =	stream.indirect_vreg.gather [hbm4b:s4+s3], $0x80, v4, vm1, $0xb8;
	[tilespmem:$0xC400] =	vst v63  }
0x1b6: {  	s15 =	simm.s32 $0x1000  }
0x1b7: {  	[tilespmem:s15], [sflag:$0x1] =	stream.indirect_vreg.gather [hbm4b:s2+s3], $0x80, v3, vm0, $0xb8;
	[tilespmem:$0xC400] =	vst v63  }
0x1b8: {  	s16 =	simm.s32 $0x1800  }
0x1b9: {  	[tilespmem:s16], [sflag:$0x1] =	stream.indirect_vreg.gather [hbm4b:s4+s3], $0x80, v3, vm1, $0xb8;
	[tilespmem:$0xC400] =	vst v63  }
0x1ba: {  	v3 =	vld [tilespmem:$0x190];
	_ =	sdelay $0x4  }
0x1bb: {  	v49 =	vshrl.u32 v3, $0x3  }
0x1bc: {  	v4 =	vmul.u32 $0x18, v49  }
0x1bd: {  	v3 =	vand.u32 $0x7, v3  }
0x1be: {  	v3 =	vor.u32 v3, v4  }
0x1bf: {  	v4 =	vperm.xlane v3, v0;
	_ =	sdelay $0x1  }
0x1c0: {  	v4 =	vadd.s32 v1, v4;
	_ =	sdelay $0x1  }
0x1c1: {  	v3 =	vperm.xlane v3, v2;
	_ =	sdelay $0x1  }
0x1c2: {  	s16 =	simm.s32 $0x1C00;
	v3 =	vadd.s32 v1, v3  }
0x1c3: {  	[tilespmem:s16], [sflag:$0x1] =	stream.indirect_vreg.gather [hbm4b:s2+s3], $0x80, v4, vm0, $0xb8;
	[tilespmem:$0xC400] =	vst v63  }
0x1c4: {  	s21 =	simm.s32 $0x2400  }
0x1c5: {  	[tilespmem:s21], [sflag:$0x1] =	stream.indirect_vreg.gather [hbm4b:s4+s3], $0x80, v4, vm1, $0xb8;
	[tilespmem:$0xC400] =	vst v63  }
0x1c6: {  	s15 =	simm.s32 $0x2800  }
0x1c7: {  	[tilespmem:s15], [sflag:$0x1] =	stream.indirect_vreg.gather [hbm4b:s2+s3], $0x80, v3, vm0, $0xb8;
	[tilespmem:$0xC400] =	vst v63  }
0x1c8: {  	s16 =	simm.s32 $0x3000  }
0x1c9: {  	[tilespmem:s16], [sflag:$0x1] =	stream.indirect_vreg.gather [hbm4b:s4+s3], $0x80, v3, vm1, $0xb8;
	[tilespmem:$0xC400] =	vst v63  }
0x1ca: {  	v3 =	vld [tilespmem:$0x1A0];
	_ =	sdelay $0x4  }
0x1cb: {  	v50 =	vshrl.u32 v3, $0x3  }
0x1cc: {  	v4 =	vmul.u32 $0x18, v50  }
0x1cd: {  	v3 =	vand.u32 $0x7, v3  }
0x1ce: {  	v3 =	vor.u32 v3, v4  }
0x1cf: {  	v4 =	vperm.xlane v3, v0;
	_ =	sdelay $0x1  }
0x1d0: {  	v4 =	vadd.s32 v1, v4;
	_ =	sdelay $0x1  }
0x1d1: {  	v3 =	vperm.xlane v3, v2;
	_ =	sdelay $0x1  }
0x1d2: {  	s21 =	simm.s32 $0x3400;
	v3 =	vadd.s32 v1, v3  }
0x1d3: {  	[tilespmem:s21], [sflag:$0x1] =	stream.indirect_vreg.gather [hbm4b:s2+s3], $0x80, v4, vm0, $0xb8;
	[tilespmem:$0xC400] =	vst v63  }
0x1d4: {  	s24 =	simm.s32 $0x3C00  }
0x1d5: {  	[tilespmem:s24], [sflag:$0x1] =	stream.indirect_vreg.gather [hbm4b:s4+s3], $0x80, v4, vm1, $0xb8;
	[tilespmem:$0xC400] =	vst v63  }
0x1d6: {  	s12 =	simm.s32 $0x4000  }
0x1d7: {  	[tilespmem:s12], [sflag:$0x1] =	stream.indirect_vreg.gather [hbm4b:s2+s3], $0x80, v3, vm0, $0xb8;
	[tilespmem:$0xC400] =	vst v63  }
0x1d8: {  	s31 =	simm.s32 $0x4800  }
0x1d9: {  	[tilespmem:s31], [sflag:$0x1] =	stream.indirect_vreg.gather [hbm4b:s4+s3], $0x80, v3, vm1, $0xb8;
	[tilespmem:$0xC400] =	vst v63  }
0x1da: {  	v3 =	vld [tilespmem:$0x1B0];
	_ =	sdelay $0x4  }
0x1db: {  	v51 =	vshrl.u32 v3, $0x3  }
0x1dc: {  	v4 =	vmul.u32 $0x18, v51  }
0x1dd: {  	v3 =	vand.u32 $0x7, v3  }
0x1de: {  	v3 =	vor.u32 v3, v4  }
0x1df: {  	v4 =	vperm.xlane v3, v0;
	_ =	sdelay $0x1  }
0x1e0: {  	v4 =	vadd.s32 v1, v4;
	_ =	sdelay $0x1  }
0x1e1: {  	v3 =	vperm.xlane v3, v2;
	_ =	sdelay $0x1  }
0x1e2: {  	s17 =	simm.s32 $0x4C00;
	v3 =	vadd.s32 v1, v3  }
0x1e3: {  	[tilespmem:s17], [sflag:$0x1] =	stream.indirect_vreg.gather [hbm4b:s2+s3], $0x80, v4, vm0, $0xb8;
	[tilespmem:$0xC400] =	vst v63  }
0x1e4: {  	s18 =	simm.s32 $0x5400  }
0x1e5: {  	[tilespmem:s18], [sflag:$0x1] =	stream.indirect_vreg.gather [hbm4b:s4+s3], $0x80, v4, vm1, $0xb8;
	[tilespmem:$0xC400] =	vst v63  }
0x1e6: {  	s19 =	simm.s32 $0x5800  }
0x1e7: {  	[tilespmem:s19], [sflag:$0x1] =	stream.indirect_vreg.gather [hbm4b:s2+s3], $0x80, v3, vm0, $0xb8;
	[tilespmem:$0xC400] =	vst v63  }
0x1e8: {  	s20 =	simm.s32 $0x6000  }
0x1e9: {  	[tilespmem:s20], [sflag:$0x1] =	stream.indirect_vreg.gather [hbm4b:s4+s3], $0x80, v3, vm1, $0xb8;
	[tilespmem:$0xC400] =	vst v63  }
0x1ea: {  	v3 =	vld [tilespmem:$0x1C0];
	_ =	sdelay $0x4  }
0x1eb: {  	v52 =	vshrl.u32 v3, $0x3  }
0x1ec: {  	v4 =	vmul.u32 $0x18, v52  }
0x1ed: {  	v3 =	vand.u32 $0x7, v3  }
0x1ee: {  	v3 =	vor.u32 v3, v4  }
0x1ef: {  	v4 =	vperm.xlane v3, v0;
	_ =	sdelay $0x1  }
0x1f0: {  	v4 =	vadd.s32 v1, v4;
	_ =	sdelay $0x1  }
0x1f1: {  	v3 =	vperm.xlane v3, v2;
	_ =	sdelay $0x1  }
0x1f2: {  	s13 =	simm.s32 $0x6400;
	v3 =	vadd.s32 v1, v3  }
0x1f3: {  	[tilespmem:s13], [sflag:$0x1] =	stream.indirect_vreg.gather [hbm4b:s2+s3], $0x80, v4, vm0, $0xb8;
	[tilespmem:$0xC400] =	vst v63  }
0x1f4: {  	s0 =	simm.s32 $0x6C00  }
0x1f5: {  	[tilespmem:s0], [sflag:$0x1] =	stream.indirect_vreg.gather [hbm4b:s4+s3], $0x80, v4, vm1, $0xb8;
	[tilespmem:$0xC400] =	vst v63  }
0x1f6: {  	s1 =	simm.s32 $0x7000  }
0x1f7: {  	[tilespmem:s1], [sflag:$0x1] =	stream.indirect_vreg.gather [hbm4b:s2+s3], $0x80, v3, vm0, $0xb8;
	[tilespmem:$0xC400] =	vst v63  }
0x1f8: {  	s11 =	simm.s32 $0x7800  }
0x1f9: {  	[tilespmem:s11], [sflag:$0x1] =	stream.indirect_vreg.gather [hbm4b:s4+s3], $0x80, v3, vm1, $0xb8;
	[tilespmem:$0xC400] =	vst v63  }
0x1fa: {  	v3 =	vld [tilespmem:$0x1D0];
	_ =	sdelay $0x4  }
0x1fb: {  	v53 =	vshrl.u32 v3, $0x3  }
0x1fc: {  	v4 =	vmul.u32 $0x18, v53  }
0x1fd: {  	v3 =	vand.u32 $0x7, v3  }
0x1fe: {  	v3 =	vor.u32 v3, v4  }
0x1ff: {  	v4 =	vperm.xlane v3, v0;
	_ =	sdelay $0x1  }
0x200: {  	v4 =	vadd.s32 v1, v4;
	_ =	sdelay $0x1  }
0x201: {  	v3 =	vperm.xlane v3, v2;
	_ =	sdelay $0x1  }
0x202: {  	s7 =	simm.s32 $0x7C00;
	v3 =	vadd.s32 v1, v3  }
0x203: {  	[tilespmem:s7], [sflag:$0x1] =	stream.indirect_vreg.gather [hbm4b:s2+s3], $0x80, v4, vm0, $0xb8;
	[tilespmem:$0xC400] =	vst v63  }
0x204: {  	s8 =	simm.s32 $0x8400  }
0x205: {  	[tilespmem:s8], [sflag:$0x1] =	stream.indirect_vreg.gather [hbm4b:s4+s3], $0x80, v4, vm1, $0xb8;
	[tilespmem:$0xC400] =	vst v63  }
0x206: {  	s9 =	simm.s32 $0x8800  }
0x207: {  	[tilespmem:s9], [sflag:$0x1] =	stream.indirect_vreg.gather [hbm4b:s2+s3], $0x80, v3, vm0, $0xb8;
	[tilespmem:$0xC400] =	vst v63  }
0x208: {  	s11 =	simm.s32 $0x9000  }
0x209: {  	[tilespmem:s11], [sflag:$0x1] =	stream.indirect_vreg.gather [hbm4b:s4+s3], $0x80, v3, vm1, $0xb8;
	[tilespmem:$0xC400] =	vst v63  }
0x20a: {  	v3 =	vld [tilespmem:$0x1E0];
	_ =	sdelay $0x4  }
0x20b: {  	v54 =	vshrl.u32 v3, $0x3  }
0x20c: {  	v4 =	vmul.u32 $0x18, v54  }
0x20d: {  	v3 =	vand.u32 $0x7, v3  }
0x20e: {  	v3 =	vor.u32 v3, v4  }
0x20f: {  	v4 =	vperm.xlane v3, v0;
	_ =	sdelay $0x1  }
0x210: {  	v4 =	vadd.s32 v1, v4;
	_ =	sdelay $0x1  }
0x211: {  	v3 =	vperm.xlane v3, v2;
	_ =	sdelay $0x1  }
0x212: {  	s29 =	simm.s32 $0x9400;
	v3 =	vadd.s32 v1, v3  }
0x213: {  	[tilespmem:s29], [sflag:$0x1] =	stream.indirect_vreg.gather [hbm4b:s2+s3], $0x80, v4, vm0, $0xb8;
	[tilespmem:$0xC400] =	vst v63  }
0x214: {  	s30 =	simm.s32 $0x9C00  }
0x215: {  	[tilespmem:s30], [sflag:$0x1] =	stream.indirect_vreg.gather [hbm4b:s4+s3], $0x80, v4, vm1, $0xb8;
	[tilespmem:$0xC400] =	vst v63  }
0x216: {  	s15 =	simm.s32 $0xA000  }
0x217: {  	[tilespmem:s15], [sflag:$0x1] =	stream.indirect_vreg.gather [hbm4b:s2+s3], $0x80, v3, vm0, $0xb8;
	[tilespmem:$0xC400] =	vst v63  }
0x218: {  	s20 =	simm.s32 $0xA800  }
0x219: {  	[tilespmem:s20], [sflag:$0x1] =	stream.indirect_vreg.gather [hbm4b:s4+s3], $0x80, v3, vm1, $0xb8;
	[tilespmem:$0xC400] =	vst v63  }
0x21a: {  	v3 =	vld [tilespmem:$0x1F0];
	_ =	sdelay $0x4  }
0x21b: {  	v55 =	vshrl.u32 v3, $0x3  }
0x21c: {  	v4 =	vmul.u32 $0x18, v55  }
0x21d: {  	v3 =	vand.u32 $0x7, v3  }
0x21e: {  	v3 =	vor.u32 v3, v4  }
0x21f: {  	v4 =	vperm.xlane v3, v0;
	_ =	sdelay $0x1  }
0x220: {  	v4 =	vadd.s32 v1, v4;
	_ =	sdelay $0x1  }
0x221: {  	v3 =	vperm.xlane v3, v2;
	_ =	sdelay $0x1  }
0x222: {  	s22 =	simm.s32 $0xAC00;
	v3 =	vadd.s32 v1, v3  }
0x223: {  	[tilespmem:s22], [sflag:$0x1] =	stream.indirect_vreg.gather [hbm4b:s2+s3], $0x80, v4, vm0, $0xb8;
	[tilespmem:$0xC400] =	vst v63  }
0x224: {  	s23 =	simm.s32 $0xB400  }
0x225: {  	[tilespmem:s23], [sflag:$0x1] =	stream.indirect_vreg.gather [hbm4b:s4+s3], $0x80, v4, vm1, $0xb8;
	[tilespmem:$0xC400] =	vst v63  }
0x226: {  	s26 =	simm.s32 $0xB800  }
0x227: {  	[tilespmem:s26], [sflag:$0x1] =	stream.indirect_vreg.gather [hbm4b:s2+s3], $0x80, v3, vm0, $0xb8;
	[tilespmem:$0xC400] =	vst v63  }
0x228: {  	s23 =	simm.s32 $0xC000  }
0x229: {  	[tilespmem:s23], [sflag:$0x1] =	stream.indirect_vreg.gather [hbm4b:s4+s3], $0x80, v3, vm1, $0xb8;
	[tilespmem:$0xC400] =	vst v63  }
0x22a: {  	_ =	swait.ge [sflag:s14], $0xC000  }
0x22b: {  	[sflag:s14] =	ssyncset.done $0x0  }
0x22c: {  	s26 =	rddreg [dreg:$0x7];
	[sflag:s14] =	ssyncadd.s32 $0xFFFF4000  }
0x22d: {  	[hbm4b:s26+s3] =	stream.linear.scatter [tilespmem:s25], [sflag:$0x2], $0xC000, $0x38;
	[tilespmem:$0xC400] =	vst v63  }
0x22e: {  	_ =	swait.ge [sflag:s6], $0xC000  }
0x22f: {  	[sflag:s6] =	ssyncset.done $0x0  }
0x230: {  	[sflag:s6] =	ssyncadd.s32 $0xFFFF4000  }
0x231: {  	v3 =	vld [tilespmem:$0x200];
	_ =	sdelay $0x4  }
0x232: {  	v56 =	vshrl.u32 v3, $0x3  }
0x233: {  	v4 =	vmul.u32 $0x18, v56  }
0x234: {  	v3 =	vand.u32 $0x7, v3  }
0x235: {  	v3 =	vor.u32 v3, v4  }
0x236: {  	v4 =	vperm.xlane v3, v0;
	_ =	sdelay $0x1  }
0x237: {  	v4 =	vadd.s32 v1, v4;
	_ =	sdelay $0x1  }
0x238: {  	v3 =	vperm.xlane v3, v2;
	_ =	sdelay $0x1  }
0x239: {  	v3 =	vadd.s32 v1, v3  }
0x23a: {  	[tilespmem:s25], [sflag:$0x1] =	stream.indirect_vreg.gather [hbm4b:s2+s3], $0x80, v4, vm0, $0xb8;
	[tilespmem:$0xC400] =	vst v63  }
0x23b: {  	s23 =	simm.s32 $0xC00  }
0x23c: {  	[tilespmem:s23], [sflag:$0x1] =	stream.indirect_vreg.gather [hbm4b:s4+s3], $0x80, v4, vm1, $0xb8;
	[tilespmem:$0xC400] =	vst v63  }
0x23d: {  	s26 =	simm.s32 $0x1000  }
0x23e: {  	[tilespmem:s26], [sflag:$0x1] =	stream.indirect_vreg.gather [hbm4b:s2+s3], $0x80, v3, vm0, $0xb8;
	[tilespmem:$0xC400] =	vst v63  }
0x23f: {  	s28 =	simm.s32 $0x1800  }
0x240: {  	[tilespmem:s28], [sflag:$0x1] =	stream.indirect_vreg.gather [hbm4b:s4+s3], $0x80, v3, vm1, $0xb8;
	[tilespmem:$0xC400] =	vst v63  }
0x241: {  	v3 =	vld [tilespmem:$0x210];
	_ =	sdelay $0x4  }
0x242: {  	v57 =	vshrl.u32 v3, $0x3  }
0x243: {  	v4 =	vmul.u32 $0x18, v57  }
0x244: {  	v3 =	vand.u32 $0x7, v3  }
0x245: {  	v3 =	vor.u32 v3, v4  }
0x246: {  	v4 =	vperm.xlane v3, v0;
	_ =	sdelay $0x1  }
0x247: {  	v4 =	vadd.s32 v1, v4;
	_ =	sdelay $0x1  }
0x248: {  	v3 =	vperm.xlane v3, v2;
	_ =	sdelay $0x1  }
0x249: {  	s23 =	simm.s32 $0x1C00;
	v3 =	vadd.s32 v1, v3  }
0x24a: {  	[tilespmem:s23], [sflag:$0x1] =	stream.indirect_vreg.gather [hbm4b:s2+s3], $0x80, v4, vm0, $0xb8;
	[tilespmem:$0xC400] =	vst v63  }
0x24b: {  	s26 =	simm.s32 $0x2400  }
0x24c: {  	[tilespmem:s26], [sflag:$0x1] =	stream.indirect_vreg.gather [hbm4b:s4+s3], $0x80, v4, vm1, $0xb8;
	[tilespmem:$0xC400] =	vst v63  }
0x24d: {  	s28 =	simm.s32 $0x2800  }
0x24e: {  	[tilespmem:s28], [sflag:$0x1] =	stream.indirect_vreg.gather [hbm4b:s2+s3], $0x80, v3, vm0, $0xb8;
	[tilespmem:$0xC400] =	vst v63  }
0x24f: {  	s23 =	simm.s32 $0x3000  }
0x250: {  	[tilespmem:s23], [sflag:$0x1] =	stream.indirect_vreg.gather [hbm4b:s4+s3], $0x80, v3, vm1, $0xb8;
	[tilespmem:$0xC400] =	vst v63  }
0x251: {  	v3 =	vld [tilespmem:$0x220];
	_ =	sdelay $0x4  }
0x252: {  	v58 =	vshrl.u32 v3, $0x3  }
0x253: {  	v4 =	vmul.u32 $0x18, v58  }
0x254: {  	v3 =	vand.u32 $0x7, v3  }
0x255: {  	v3 =	vor.u32 v3, v4  }
0x256: {  	v4 =	vperm.xlane v3, v0;
	_ =	sdelay $0x1  }
0x257: {  	v4 =	vadd.s32 v1, v4;
	_ =	sdelay $0x1  }
0x258: {  	v3 =	vperm.xlane v3, v2;
	_ =	sdelay $0x1  }
0x259: {  	s26 =	simm.s32 $0x3400;
	v3 =	vadd.s32 v1, v3  }
0x25a: {  	[tilespmem:s26], [sflag:$0x1] =	stream.indirect_vreg.gather [hbm4b:s2+s3], $0x80, v4, vm0, $0xb8;
	[tilespmem:$0xC400] =	vst v63  }
0x25b: {  	s16 =	simm.s32 $0x3C00  }
0x25c: {  	[tilespmem:s16], [sflag:$0x1] =	stream.indirect_vreg.gather [hbm4b:s4+s3], $0x80, v4, vm1, $0xb8;
	[tilespmem:$0xC400] =	vst v63  }
0x25d: {  	s24 =	simm.s32 $0x4000  }
0x25e: {  	[tilespmem:s24], [sflag:$0x1] =	stream.indirect_vreg.gather [hbm4b:s2+s3], $0x80, v3, vm0, $0xb8;
	[tilespmem:$0xC400] =	vst v63  }
0x25f: {  	s10 =	simm.s32 $0x4800  }
0x260: {  	[tilespmem:s10], [sflag:$0x1] =	stream.indirect_vreg.gather [hbm4b:s4+s3], $0x80, v3, vm1, $0xb8;
	[tilespmem:$0xC400] =	vst v63  }
0x261: {  	v3 =	vld [tilespmem:$0x230];
	_ =	sdelay $0x4  }
0x262: {  	v59 =	vshrl.u32 v3, $0x3  }
0x263: {  	v4 =	vmul.u32 $0x18, v59  }
0x264: {  	v3 =	vand.u32 $0x7, v3  }
0x265: {  	v3 =	vor.u32 v3, v4  }
0x266: {  	v4 =	vperm.xlane v3, v0;
	_ =	sdelay $0x1  }
0x267: {  	v4 =	vadd.s32 v1, v4;
	_ =	sdelay $0x1  }
0x268: {  	v3 =	vperm.xlane v3, v2;
	_ =	sdelay $0x1  }
0x269: {  	s31 =	simm.s32 $0x4C00;
	v3 =	vadd.s32 v1, v3  }
0x26a: {  	[tilespmem:s31], [sflag:$0x1] =	stream.indirect_vreg.gather [hbm4b:s2+s3], $0x80, v4, vm0, $0xb8;
	[tilespmem:$0xC400] =	vst v63  }
0x26b: {  	s17 =	simm.s32 $0x5400  }
0x26c: {  	[tilespmem:s17], [sflag:$0x1] =	stream.indirect_vreg.gather [hbm4b:s4+s3], $0x80, v4, vm1, $0xb8;
	[tilespmem:$0xC400] =	vst v63  }
0x26d: {  	s18 =	simm.s32 $0x5800  }
0x26e: {  	[tilespmem:s18], [sflag:$0x1] =	stream.indirect_vreg.gather [hbm4b:s2+s3], $0x80, v3, vm0, $0xb8;
	[tilespmem:$0xC400] =	vst v63  }
0x26f: {  	s19 =	simm.s32 $0x6000  }
0x270: {  	[tilespmem:s19], [sflag:$0x1] =	stream.indirect_vreg.gather [hbm4b:s4+s3], $0x80, v3, vm1, $0xb8;
	[tilespmem:$0xC400] =	vst v63  }
0x271: {  	v3 =	vld [tilespmem:$0x240];
	_ =	sdelay $0x4  }
0x272: {  	v60 =	vshrl.u32 v3, $0x3  }
0x273: {  	v4 =	vmul.u32 $0x18, v60  }
0x274: {  	v3 =	vand.u32 $0x7, v3  }
0x275: {  	v3 =	vor.u32 v3, v4  }
0x276: {  	v4 =	vperm.xlane v3, v0;
	_ =	sdelay $0x1  }
0x277: {  	v4 =	vadd.s32 v1, v4;
	_ =	sdelay $0x1  }
0x278: {  	v3 =	vperm.xlane v3, v2;
	_ =	sdelay $0x1  }
0x279: {  	s12 =	simm.s32 $0x6400;
	v3 =	vadd.s32 v1, v3  }
0x27a: {  	[tilespmem:s12], [sflag:$0x1] =	stream.indirect_vreg.gather [hbm4b:s2+s3], $0x80, v4, vm0, $0xb8;
	[tilespmem:$0xC400] =	vst v63  }
0x27b: {  	s21 =	simm.s32 $0x6C00  }
0x27c: {  	[tilespmem:s21], [sflag:$0x1] =	stream.indirect_vreg.gather [hbm4b:s4+s3], $0x80, v4, vm1, $0xb8;
	[tilespmem:$0xC400] =	vst v63  }
0x27d: {  	s0 =	simm.s32 $0x7000  }
0x27e: {  	[tilespmem:s0], [sflag:$0x1] =	stream.indirect_vreg.gather [hbm4b:s2+s3], $0x80, v3, vm0, $0xb8;
	[tilespmem:$0xC400] =	vst v63  }
0x27f: {  	s13 =	simm.s32 $0x7800  }
0x280: {  	[tilespmem:s13], [sflag:$0x1] =	stream.indirect_vreg.gather [hbm4b:s4+s3], $0x80, v3, vm1, $0xb8;
	[tilespmem:$0xC400] =	vst v63  }
0x281: {  	v3 =	vld [tilespmem:$0x250];
	_ =	sdelay $0x4  }
0x282: {  	v61 =	vshrl.u32 v3, $0x3  }
0x283: {  	v4 =	vmul.u32 $0x18, v61  }
0x284: {  	v3 =	vand.u32 $0x7, v3  }
0x285: {  	v3 =	vor.u32 v3, v4  }
0x286: {  	v4 =	vperm.xlane v3, v0;
	_ =	sdelay $0x1  }
0x287: {  	v4 =	vadd.s32 v1, v4;
	_ =	sdelay $0x1  }
0x288: {  	v3 =	vperm.xlane v3, v2;
	_ =	sdelay $0x1  }
0x289: {  	s1 =	simm.s32 $0x7C00;
	v3 =	vadd.s32 v1, v3  }
0x28a: {  	[tilespmem:s1], [sflag:$0x1] =	stream.indirect_vreg.gather [hbm4b:s2+s3], $0x80, v4, vm0, $0xb8;
	[tilespmem:$0xC400] =	vst v63  }
0x28b: {  	s7 =	simm.s32 $0x8400  }
0x28c: {  	[tilespmem:s7], [sflag:$0x1] =	stream.indirect_vreg.gather [hbm4b:s4+s3], $0x80, v4, vm1, $0xb8;
	[tilespmem:$0xC400] =	vst v63  }
0x28d: {  	s8 =	simm.s32 $0x8800  }
0x28e: {  	[tilespmem:s8], [sflag:$0x1] =	stream.indirect_vreg.gather [hbm4b:s2+s3], $0x80, v3, vm0, $0xb8;
	[tilespmem:$0xC400] =	vst v63  }
0x28f: {  	s28 =	simm.s32 $0x9000  }
0x290: {  	[tilespmem:s28], [sflag:$0x1] =	stream.indirect_vreg.gather [hbm4b:s4+s3], $0x80, v3, vm1, $0xb8;
	[tilespmem:$0xC400] =	vst v63  }
0x291: {  	v3 =	vld [tilespmem:$0x260];
	_ =	sdelay $0x4  }
0x292: {  	v62 =	vshrl.u32 v3, $0x3  }
0x293: {  	v4 =	vmul.u32 $0x18, v62  }
0x294: {  	v3 =	vand.u32 $0x7, v3  }
0x295: {  	v3 =	vor.u32 v3, v4  }
0x296: {  	v4 =	vperm.xlane v3, v0;
	_ =	sdelay $0x1  }
0x297: {  	v4 =	vadd.s32 v1, v4;
	_ =	sdelay $0x1  }
0x298: {  	v3 =	vperm.xlane v3, v2;
	_ =	sdelay $0x1  }
0x299: {  	s29 =	simm.s32 $0x9400;
	v3 =	vadd.s32 v1, v3  }
0x29a: {  	[tilespmem:s29], [sflag:$0x1] =	stream.indirect_vreg.gather [hbm4b:s2+s3], $0x80, v4, vm0, $0xb8;
	[tilespmem:$0xC400] =	vst v63  }
0x29b: {  	s30 =	simm.s32 $0x9C00  }
0x29c: {  	[tilespmem:s30], [sflag:$0x1] =	stream.indirect_vreg.gather [hbm4b:s4+s3], $0x80, v4, vm1, $0xb8;
	[tilespmem:$0xC400] =	vst v63  }
0x29d: {  	s29 =	simm.s32 $0xA000  }
0x29e: {  	[tilespmem:s29], [sflag:$0x1] =	stream.indirect_vreg.gather [hbm4b:s2+s3], $0x80, v3, vm0, $0xb8;
	[tilespmem:$0xC400] =	vst v63  }
0x29f: {  	s30 =	simm.s32 $0xA800  }
0x2a0: {  	[tilespmem:s30], [sflag:$0x1] =	stream.indirect_vreg.gather [hbm4b:s4+s3], $0x80, v3, vm1, $0xb8;
	[tilespmem:$0xC400] =	vst v63  }
0x2a1: {  	v3 =	vld [tilespmem:$0x270];
	_ =	sdelay $0x4  }
0x2a2: {  	v63 =	vshrl.u32 v3, $0x3  }
0x2a3: {  	v4 =	vmul.u32 $0x18, v63  }
0x2a4: {  	v3 =	vand.u32 $0x7, v3  }
0x2a5: {  	v3 =	vor.u32 v3, v4  }
0x2a6: {  	v4 =	vperm.xlane v3, v0;
	_ =	sdelay $0x1  }
0x2a7: {  	v4 =	vadd.s32 v1, v4;
	_ =	sdelay $0x1  }
0x2a8: {  	v3 =	vperm.xlane v3, v2;
	_ =	sdelay $0x1  }
0x2a9: {  	s9 =	simm.s32 $0xAC00;
	v3 =	vadd.s32 v1, v3  }
0x2aa: {  	[tilespmem:s9], [sflag:$0x1] =	stream.indirect_vreg.gather [hbm4b:s2+s3], $0x80, v4, vm0, $0xb8;
	[tilespmem:$0xC400] =	vst v63  }
0x2ab: {  	s11 =	simm.s32 $0xB400  }
0x2ac: {  	[tilespmem:s11], [sflag:$0x1] =	stream.indirect_vreg.gather [hbm4b:s4+s3], $0x80, v4, vm1, $0xb8;
	[tilespmem:$0xC400] =	vst v63  }
0x2ad: {  	s20 =	simm.s32 $0xB800  }
0x2ae: {  	[tilespmem:s20], [sflag:$0x1] =	stream.indirect_vreg.gather [hbm4b:s2+s3], $0x80, v3, vm0, $0xb8;
	[tilespmem:$0xC400] =	vst v63  }
0x2af: {  	s22 =	simm.s32 $0xC000  }
0x2b0: {  	[tilespmem:s22], [sflag:$0x1] =	stream.indirect_vreg.gather [hbm4b:s4+s3], $0x80, v3, vm1, $0xb8;
	[tilespmem:$0xC400] =	vst v63  }
0x2b1: {  	_ =	swait.ge [sflag:s14], $0xC000  }
0x2b2: {  	p0 =	sne.s32 s5, $0x1;
	[sflag:s14] =	ssyncset.done $0x0  }
.Ltmp0:
0x2b3: {  	s31 =	rddreg [dreg:$0x8];
	[sflag:s14] =	ssyncadd.s32 $0xFFFF4000;
	(pc) =	sbr.rel @p0 .LBB2_1-.Ltmp0, $4  }
0x2b4: {  	[hbm4b:s31+s3] =	stream.linear.scatter [tilespmem:s25], [sflag:$0x2], $0xC000, $0x38;
	[tilespmem:$0xC400] =	vst v63  }
0x2b5: {  	_ =	swait.ge [sflag:s6], $0xC000  }
0x2b6: {  	[sflag:s6] =	ssyncset.done $0x0  }
0x2b7: {  	s5 =	sadd.s32 $0xFFFFFFFF, s5;
	[sflag:s6] =	ssyncadd.s32 $0xFFFF4000  }
0x2b8: {  	_ =	sfence.sel $0x180000  }
0x2b9: {  	[bflag:$0x0] =	sbarrier.arrive $0xFFFF  }
0x2ba: {  	_ =	strace $0x90000047  }
0x2bb: {  	s0 =	stileid.u32;
	[bflag:$0x2] =	sbarrier.arrive $0xFFFF  }
0x2bc: {  	p0 =	sne.s32 s0, $0x0;
	s0 =	rddreg [dreg:$0x2]  }
0x2bd: {  	s0 =	sadd.s32 @!p0 $0x100000, s0  }
0x2be: {  	[sflag:s0] =	ssyncadd.tile.s32 @!p0 $0x1;
	_ =	shalt  }
.Lfunc_end2:
_tile_overlayer_lowered:
.L_overlay_start_2:
0x2bf: {  	(tag) =	ssettag $0x2  }
0x2c0: {  	s0 =	rddreg [dreg:$0x0];
	s2 =	stileid.u32  }
0x2c1: {  	s1 =	rddreg [dreg:$0x1];
	p0 =	sne.s32 s2, $0x0  }
0x2c2: {  	s3 =	rddreg [dreg:$0x2];
	[bflag:$0x3] =	sbarrier.arrive $0xFFFF;
	s2 =	simm.s32 @!p0 $0x1C02  }
0x2c3: {  	[timem:s3], [sflag:s2] =	dma.local @!p0 [hbm:s0], s1  }
0x2c4: {  	s0 =	simm.s32 @!p0 $0x2  }
0x2c5: {  	_ =	swait.ge @!p0 [sflag:s0], s1  }
0x2c6: {  	s1 =	ssub.s32 @!p0 $0x0, s1;
	[sflag:s0] =	ssyncset.done @!p0 $0x0  }
0x2c7: {  	[sflag:s0] =	ssyncadd.s32 @!p0 s1  }
0x2c8: {  	[bflag:$0x3] =	sbarrier.arrive $0xFFFF  }
0x2c9: {  	_ =	shalt  }

</sc_bundles>
